<compile_context>
chip_gen: v7x
topology: tpu7x:2x2x1
jax: 0.10.2.dev20260603
libtpu: 0.0.44.dev20260713+nightly
codegen_flags: <defaults>
</compile_context>

<pallas_src>
import jax
import jax.numpy as jnp
from jax.experimental import pallas as pl
from jax.experimental.pallas import tpu as pltpu

B = 8
T = 2048
DIN = 756
K = 1024
D = 32
Q = 8
N = B * T

TILE = 1024
W = 3 * D + 3


def _vq_kernel(z_ref, wout_ref, cbt_ref, cb_ref, cb2_ref,
               out_ref, allq_ref, idx_ref, cbp_scr, q_scr, i_scr):
    f32 = jnp.float32
    bf16 = jnp.bfloat16

    @pl.when(pl.program_id(0) == 0)
    def _build_split():
        kio = jax.lax.broadcasted_iota(jnp.int32, (K, 1), 0)
        k_hi = (kio & ~31).astype(bf16)
        k_lo = (kio & 31).astype(bf16)
        ones = jnp.ones((K, 1), bf16)
        for q in range(Q):
            cb = cb_ref[q]
            hi = cb.astype(bf16)
            rem1 = cb - hi.astype(f32)
            mid = rem1.astype(bf16)
            lo = (rem1 - mid.astype(f32)).astype(bf16)
            cbp_scr[q] = jnp.concatenate([hi, mid, lo, k_hi, k_lo, ones],
                                         axis=-1)

    res = z_ref[...]
    qsum = jnp.zeros_like(res)
    idx_cols = []
    for q in range(Q):
        cbt = cbt_ref[q]
        cb2 = cb2_ref[q]
        r2 = jnp.sum(res * res, axis=1, keepdims=True)
        s = jnp.dot(res, cbt, preferred_element_type=f32)
        dist = (r2 - 2.0 * s) + cb2
        minv = jnp.min(dist, axis=1, keepdims=True)
        m = (dist == minv).astype(bf16)
        parts = jnp.dot(m, cbp_scr[q], preferred_element_type=f32)
        quant = (parts[:, :D] + parts[:, D:2 * D]) + parts[:, 2 * D:3 * D]
        idxf = parts[:, 3 * D:3 * D + 1] + parts[:, 3 * D + 1:3 * D + 2]
        count = parts[:, 3 * D + 2:3 * D + 3]
        q_scr[...] = quant
        i_scr[...] = idxf.astype(jnp.int32)

        @pl.when(jnp.max(count) > 1.0)
        def _tie_fallback():
            iota = jax.lax.broadcasted_iota(jnp.int32, dist.shape, 1)
            idx_e = jnp.min(jnp.where(dist == minv, iota, K), axis=1,
                            keepdims=True)
            onehot = (iota == idx_e).astype(bf16)
            pe = jnp.dot(onehot, cbp_scr[q], preferred_element_type=f32)
            q_scr[...] = (pe[:, :D] + pe[:, D:2 * D]) + pe[:, 2 * D:3 * D]
            i_scr[...] = idx_e

        quant = q_scr[...]
        res = res - quant
        qsum = qsum + quant
        allq_ref[q] = quant
        idx_cols.append(i_scr[...])
    idx_ref[...] = jnp.concatenate(idx_cols, axis=1)
    out = jnp.dot(qsum, wout_ref[...], preferred_element_type=f32)
    out_ref[...] = jnp.maximum(out, 0.0)


def kernel(inputs, W_in, W_out, codebooks):
    x = jnp.transpose(inputs, (0, 1, 3, 2)).reshape(B, -1, DIN)
    z = jnp.einsum('btd,de->bte', x, W_in).reshape(N, D)
    cbt = codebooks.transpose(0, 2, 1)
    cb2 = jnp.sum(codebooks ** 2, axis=-1)[:, None, :]

    grid = (N // TILE,)
    out, allq, idx = pl.pallas_call(
        _vq_kernel,
        grid=grid,
        in_specs=[
            pl.BlockSpec((TILE, D), lambda i: (i, 0)),
            pl.BlockSpec((D, DIN), lambda i: (0, 0)),
            pl.BlockSpec((Q, D, K), lambda i: (0, 0, 0)),
            pl.BlockSpec((Q, K, D), lambda i: (0, 0, 0)),
            pl.BlockSpec((Q, 1, K), lambda i: (0, 0, 0)),
        ],
        out_specs=[
            pl.BlockSpec((TILE, DIN), lambda i: (i, 0)),
            pl.BlockSpec((Q, TILE, D), lambda i: (0, i, 0)),
            pl.BlockSpec((TILE, Q), lambda i: (i, 0)),
        ],
        out_shape=[
            jax.ShapeDtypeStruct((N, DIN), jnp.float32),
            jax.ShapeDtypeStruct((Q, N, D), jnp.float32),
            jax.ShapeDtypeStruct((N, Q), jnp.int32),
        ],
        scratch_shapes=[pltpu.VMEM((Q, K, W), jnp.bfloat16),
                        pltpu.VMEM((TILE, D), jnp.float32),
                        pltpu.VMEM((TILE, 1), jnp.int32)],
    )(z, W_out, cbt, codebooks, cb2)

    return (out.reshape(B, T, DIN),
            allq.reshape(Q, B, T, D),
            idx.reshape(B, T, Q))

# --- scband reference (transcript-rebuilt; emitter-appended) ---
"""Pipeline reference for scband-quantize-model-47227460387394 (READ-ONLY COPY).

The authoritative reference and input builder live on the scoring server;
editing this copy changes nothing except your own understanding.
"""

import jax, jax.numpy as jnp
import numpy as np

B = 8
T = 2048
DIN = 252 * 3
K = 1024
D = 32
Q = 8

def setup_inputs(seed: int = 0) -> dict:
    key = jax.random.key(seed)
    k1, k2, k3, k4 = jax.random.split(key, 4)
    inputs = jax.random.normal(k1, (B, T, 252, 3), dtype=jnp.float32)
    W_in = jax.random.normal(k2, (DIN, D), dtype=jnp.float32) * 0.02
    W_out = jax.random.normal(k3, (D, DIN), dtype=jnp.float32) * 0.02
    codebooks = jax.random.normal(k4, (Q, K, D), dtype=jnp.float32)
    return {"inputs": inputs, "W_in": W_in, "W_out": W_out, "codebooks": codebooks}

def reference(inputs, W_in, W_out, codebooks):
    # QuantizeModel.call: transpose (0,1,3,2) then reshape to (B, -1, 756)
    x = jnp.transpose(inputs, (0, 1, 3, 2)).reshape(B, -1, DIN)  # [B, T, 756]
    # ResidualVQ: project in, Q stages of nearest-neighbor quantization on the residual
    z = jnp.einsum('btd,de->bte', x, W_in)  # [B, T, D]
    residual = z
    quant_sum = jnp.zeros_like(z)
    all_q = []
    idx_list = []
    for q in range(Q):
        cb = codebooks[q]  # [K, D]
        dist = (jnp.sum(residual ** 2, axis=-1, keepdims=True)
                - 2.0 * jnp.einsum('btd,kd->btk', residual, cb)
                + jnp.sum(cb ** 2, axis=-1)[None, None, :])  # [B, T, K]
        idx = jnp.argmin(dist, axis=-1)  # [B, T]
        quant = jnp.take(cb, idx, axis=0)  # gather codewords [B, T, D]
        # straight-through estimator
        quant = residual + jax.lax.stop_gradient(quant - residual)
        residual = residual - quant
        quant_sum = quant_sum + quant
        all_q.append(quant)
        idx_list.append(idx)
    # project out + relu (QuantizeModel applies relu to quantized_inputs)
    quantized_inputs = jax.nn.relu(jnp.einsum('bte,ed->btd', quant_sum, W_out))  # [B, T, 756]
    all_quantized = jnp.stack(all_q, axis=0)  # [Q, B, T, D]
    encoding_indices = jnp.stack(idx_list, axis=-1)  # [B, T, Q]
    return quantized_inputs, all_quantized, encoding_indices

if __name__ == "__main__":
    import jax
    _d = setup_inputs()
    print(jax.jit(kernel)(*tuple(_d.values())))

</pallas_src>

<mosaic_0001>
module attributes {stable_mosaic.version = 14 : i64} {
  func.func @_vq_kernel(%arg0: i32, %arg1: memref<1024x32xf32, #tpu.memory_space<vmem>>, %arg2: memref<32x756xf32, #tpu.memory_space<vmem>>, %arg3: memref<8x32x1024xf32, #tpu.memory_space<vmem>>, %arg4: memref<8x1024x32xf32, #tpu.memory_space<vmem>>, %arg5: memref<8x1x1024xf32, #tpu.memory_space<vmem>>, %arg6: memref<1024x756xf32, #tpu.memory_space<vmem>>, %arg7: memref<8x1024x32xf32, #tpu.memory_space<vmem>>, %arg8: memref<1024x8xi32, #tpu.memory_space<vmem>>, %arg9: memref<8x1024x99xbf16, #tpu.memory_space<vmem>>, %arg10: memref<1024x32xf32, #tpu.memory_space<vmem>>, %arg11: memref<1024x1xi32, #tpu.memory_space<vmem>>) attributes {dimension_semantics = [#tpu.dimension_semantics<arbitrary>], iteration_bounds = array<i64: 16>, scalar_prefetch = 0 : i64, scratch_operands = 3 : i64, tpu.core_type = #tpu.core_type<tc>, window_params = [{transform_indices = @transform_0, window_bounds = array<i64: 1024, 32>}, {pipeline_mode = #tpu.pipeline_mode<synchronous>, transform_indices = @transform_1, window_bounds = array<i64: 32, 756>}, {pipeline_mode = #tpu.pipeline_mode<synchronous>, transform_indices = @transform_2, window_bounds = array<i64: 8, 32, 1024>}, {pipeline_mode = #tpu.pipeline_mode<synchronous>, transform_indices = @transform_3, window_bounds = array<i64: 8, 1024, 32>}, {pipeline_mode = #tpu.pipeline_mode<synchronous>, transform_indices = @transform_4, window_bounds = array<i64: 8, 1, 1024>}, {transform_indices = @transform_5, window_bounds = array<i64: 1024, 756>}, {transform_indices = @transform_6, window_bounds = array<i64: 8, 1024, 32>}, {transform_indices = @transform_7, window_bounds = array<i64: 1024, 8>}]} {
    %eq3A = arith.constant 0 : i32
    %eq3A_0 = arith.cmpi eq, %arg0, %eq3A : i32
    %convert_element_type3A = arith.extui %eq3A_0 : i1 to i32
    %cond3A = arith.constant 0 : i32
    %cond3A_1 = arith.cmpi ne, %convert_element_type3A, %cond3A : i32
    scf.if %cond3A_1 {
      %iota3A = tpu.iota {dimensions = array<i32: 0>} : vector<1024x1xi32>
      %and3A = arith.constant -32 : i32
      %and3A_631 = vector.broadcast %and3A : i32 to vector<1024x1xi32>
      %and3A_632 = arith.andi %iota3A, %and3A_631 : vector<1024x1xi32>
      %convert_element_type3A_633 = arith.sitofp %and3A_632 : vector<1024x1xi32> to vector<1024x1xbf16>
      %and3A_634 = arith.constant 31 : i32
      %and3A_635 = vector.broadcast %and3A_634 : i32 to vector<1024x1xi32>
      %and3A_636 = arith.andi %iota3A, %and3A_635 : vector<1024x1xi32>
      %convert_element_type3A_637 = arith.sitofp %and3A_636 : vector<1024x1xi32> to vector<1024x1xbf16>
      %broadcast_in_dim3A_638 = arith.constant 1.000000e+00 : bf16
      %broadcast_in_dim3A_639 = vector.broadcast %broadcast_in_dim3A_638 : bf16 to vector<1024x1xbf16>
      %get3A_640 = arith.constant 0 : index
      %get3A_641 = arith.constant 0 : index
      %get3A_642 = arith.constant 0 : index
      %get3A_643 = vector.load %arg4[%get3A_640, %get3A_641, %get3A_642] : memref<8x1024x32xf32, #tpu.memory_space<vmem>>, vector<1x1024x32xf32>
      %get3A_644 = vector.shape_cast %get3A_643 : vector<1x1024x32xf32> to vector<1024x32xf32>
      %convert_element_type3A_645 = arith.truncf %get3A_644 : vector<1024x32xf32> to vector<1024x32xbf16>
      %convert_element_type3A_646 = arith.extf %convert_element_type3A_645 : vector<1024x32xbf16> to vector<1024x32xf32>
      %sub3A_647 = arith.subf %get3A_644, %convert_element_type3A_646 : vector<1024x32xf32>
      %convert_element_type3A_648 = arith.truncf %sub3A_647 : vector<1024x32xf32> to vector<1024x32xbf16>
      %convert_element_type3A_649 = arith.extf %convert_element_type3A_648 : vector<1024x32xbf16> to vector<1024x32xf32>
      %sub3A_650 = arith.subf %sub3A_647, %convert_element_type3A_649 : vector<1024x32xf32>
      %convert_element_type3A_651 = arith.truncf %sub3A_650 : vector<1024x32xf32> to vector<1024x32xbf16>
      %concatenate3A_652 = tpu.concatenate %convert_element_type3A_645, %convert_element_type3A_648, %convert_element_type3A_651, %convert_element_type3A_633, %convert_element_type3A_637, %broadcast_in_dim3A_639 in 1 : vector<1024x32xbf16>, vector<1024x32xbf16>, vector<1024x32xbf16>, vector<1024x1xbf16>, vector<1024x1xbf16>, vector<1024x1xbf16> -> vector<1024x99xbf16>
      %swap3A_653 = arith.constant 0 : index
      %swap3A_654 = arith.constant 0 : index
      %swap3A_655 = arith.constant 0 : index
      %swap3A_656 = vector.load %arg9[%swap3A_653, %swap3A_654, %swap3A_655] : memref<8x1024x99xbf16, #tpu.memory_space<vmem>>, vector<1x1024x99xbf16>
      %swap3A_657 = vector.shape_cast %swap3A_656 : vector<1x1024x99xbf16> to vector<1024x99xbf16>
      %swap3A_658 = vector.shape_cast %concatenate3A_652 : vector<1024x99xbf16> to vector<1x1024x99xbf16>
      tpu.vector_store %arg9[%swap3A_653, %swap3A_654, %swap3A_655], %swap3A_658 {strides = array<i32>} : memref<8x1024x99xbf16, #tpu.memory_space<vmem>>, vector<1x1024x99xbf16>,
      %get3A_659 = arith.constant 1 : index
      %get3A_660 = arith.constant 0 : index
      %get3A_661 = arith.constant 0 : index
      %get3A_662 = vector.load %arg4[%get3A_659, %get3A_660, %get3A_661] : memref<8x1024x32xf32, #tpu.memory_space<vmem>>, vector<1x1024x32xf32>
      %get3A_663 = vector.shape_cast %get3A_662 : vector<1x1024x32xf32> to vector<1024x32xf32>
      %convert_element_type3A_664 = arith.truncf %get3A_663 : vector<1024x32xf32> to vector<1024x32xbf16>
      %convert_element_type3A_665 = arith.extf %convert_element_type3A_664 : vector<1024x32xbf16> to vector<1024x32xf32>
      %sub3A_666 = arith.subf %get3A_663, %convert_element_type3A_665 : vector<1024x32xf32>
      %convert_element_type3A_667 = arith.truncf %sub3A_666 : vector<1024x32xf32> to vector<1024x32xbf16>
      %convert_element_type3A_668 = arith.extf %convert_element_type3A_667 : vector<1024x32xbf16> to vector<1024x32xf32>
      %sub3A_669 = arith.subf %sub3A_666, %convert_element_type3A_668 : vector<1024x32xf32>
      %convert_element_type3A_670 = arith.truncf %sub3A_669 : vector<1024x32xf32> to vector<1024x32xbf16>
      %concatenate3A_671 = tpu.concatenate %convert_element_type3A_664, %convert_element_type3A_667, %convert_element_type3A_670, %convert_element_type3A_633, %convert_element_type3A_637, %broadcast_in_dim3A_639 in 1 : vector<1024x32xbf16>, vector<1024x32xbf16>, vector<1024x32xbf16>, vector<1024x1xbf16>, vector<1024x1xbf16>, vector<1024x1xbf16> -> vector<1024x99xbf16>
      %swap3A_672 = arith.constant 1 : index
      %swap3A_673 = arith.constant 0 : index
      %swap3A_674 = arith.constant 0 : index
      %swap3A_675 = vector.load %arg9[%swap3A_672, %swap3A_673, %swap3A_674] : memref<8x1024x99xbf16, #tpu.memory_space<vmem>>, vector<1x1024x99xbf16>
      %swap3A_676 = vector.shape_cast %swap3A_675 : vector<1x1024x99xbf16> to vector<1024x99xbf16>
      %swap3A_677 = vector.shape_cast %concatenate3A_671 : vector<1024x99xbf16> to vector<1x1024x99xbf16>
      tpu.vector_store %arg9[%swap3A_672, %swap3A_673, %swap3A_674], %swap3A_677 {strides = array<i32>} : memref<8x1024x99xbf16, #tpu.memory_space<vmem>>, vector<1x1024x99xbf16>,
      %get3A_678 = arith.constant 2 : index
      %get3A_679 = arith.constant 0 : index
      %get3A_680 = arith.constant 0 : index
      %get3A_681 = vector.load %arg4[%get3A_678, %get3A_679, %get3A_680] : memref<8x1024x32xf32, #tpu.memory_space<vmem>>, vector<1x1024x32xf32>
      %get3A_682 = vector.shape_cast %get3A_681 : vector<1x1024x32xf32> to vector<1024x32xf32>
      %convert_element_type3A_683 = arith.truncf %get3A_682 : vector<1024x32xf32> to vector<1024x32xbf16>
      %convert_element_type3A_684 = arith.extf %convert_element_type3A_683 : vector<1024x32xbf16> to vector<1024x32xf32>
      %sub3A_685 = arith.subf %get3A_682, %convert_element_type3A_684 : vector<1024x32xf32>
      %convert_element_type3A_686 = arith.truncf %sub3A_685 : vector<1024x32xf32> to vector<1024x32xbf16>
      %convert_element_type3A_687 = arith.extf %convert_element_type3A_686 : vector<1024x32xbf16> to vector<1024x32xf32>
      %sub3A_688 = arith.subf %sub3A_685, %convert_element_type3A_687 : vector<1024x32xf32>
      %convert_element_type3A_689 = arith.truncf %sub3A_688 : vector<1024x32xf32> to vector<1024x32xbf16>
      %concatenate3A_690 = tpu.concatenate %convert_element_type3A_683, %convert_element_type3A_686, %convert_element_type3A_689, %convert_element_type3A_633, %convert_element_type3A_637, %broadcast_in_dim3A_639 in 1 : vector<1024x32xbf16>, vector<1024x32xbf16>, vector<1024x32xbf16>, vector<1024x1xbf16>, vector<1024x1xbf16>, vector<1024x1xbf16> -> vector<1024x99xbf16>
      %swap3A_691 = arith.constant 2 : index
      %swap3A_692 = arith.constant 0 : index
      %swap3A_693 = arith.constant 0 : index
      %swap3A_694 = vector.load %arg9[%swap3A_691, %swap3A_692, %swap3A_693] : memref<8x1024x99xbf16, #tpu.memory_space<vmem>>, vector<1x1024x99xbf16>
      %swap3A_695 = vector.shape_cast %swap3A_694 : vector<1x1024x99xbf16> to vector<1024x99xbf16>
      %swap3A_696 = vector.shape_cast %concatenate3A_690 : vector<1024x99xbf16> to vector<1x1024x99xbf16>
      tpu.vector_store %arg9[%swap3A_691, %swap3A_692, %swap3A_693], %swap3A_696 {strides = array<i32>} : memref<8x1024x99xbf16, #tpu.memory_space<vmem>>, vector<1x1024x99xbf16>,
      %get3A_697 = arith.constant 3 : index
      %get3A_698 = arith.constant 0 : index
      %get3A_699 = arith.constant 0 : index
      %get3A_700 = vector.load %arg4[%get3A_697, %get3A_698, %get3A_699] : memref<8x1024x32xf32, #tpu.memory_space<vmem>>, vector<1x1024x32xf32>
      %get3A_701 = vector.shape_cast %get3A_700 : vector<1x1024x32xf32> to vector<1024x32xf32>
      %convert_element_type3A_702 = arith.truncf %get3A_701 : vector<1024x32xf32> to vector<1024x32xbf16>
      %convert_element_type3A_703 = arith.extf %convert_element_type3A_702 : vector<1024x32xbf16> to vector<1024x32xf32>
      %sub3A_704 = arith.subf %get3A_701, %convert_element_type3A_703 : vector<1024x32xf32>
      %convert_element_type3A_705 = arith.truncf %sub3A_704 : vector<1024x32xf32> to vector<1024x32xbf16>
      %convert_element_type3A_706 = arith.extf %convert_element_type3A_705 : vector<1024x32xbf16> to vector<1024x32xf32>
      %sub3A_707 = arith.subf %sub3A_704, %convert_element_type3A_706 : vector<1024x32xf32>
      %convert_element_type3A_708 = arith.truncf %sub3A_707 : vector<1024x32xf32> to vector<1024x32xbf16>
      %concatenate3A_709 = tpu.concatenate %convert_element_type3A_702, %convert_element_type3A_705, %convert_element_type3A_708, %convert_element_type3A_633, %convert_element_type3A_637, %broadcast_in_dim3A_639 in 1 : vector<1024x32xbf16>, vector<1024x32xbf16>, vector<1024x32xbf16>, vector<1024x1xbf16>, vector<1024x1xbf16>, vector<1024x1xbf16> -> vector<1024x99xbf16>
      %swap3A_710 = arith.constant 3 : index
      %swap3A_711 = arith.constant 0 : index
      %swap3A_712 = arith.constant 0 : index
      %swap3A_713 = vector.load %arg9[%swap3A_710, %swap3A_711, %swap3A_712] : memref<8x1024x99xbf16, #tpu.memory_space<vmem>>, vector<1x1024x99xbf16>
      %swap3A_714 = vector.shape_cast %swap3A_713 : vector<1x1024x99xbf16> to vector<1024x99xbf16>
      %swap3A_715 = vector.shape_cast %concatenate3A_709 : vector<1024x99xbf16> to vector<1x1024x99xbf16>
      tpu.vector_store %arg9[%swap3A_710, %swap3A_711, %swap3A_712], %swap3A_715 {strides = array<i32>} : memref<8x1024x99xbf16, #tpu.memory_space<vmem>>, vector<1x1024x99xbf16>,
      %get3A_716 = arith.constant 4 : index
      %get3A_717 = arith.constant 0 : index
      %get3A_718 = arith.constant 0 : index
      %get3A_719 = vector.load %arg4[%get3A_716, %get3A_717, %get3A_718] : memref<8x1024x32xf32, #tpu.memory_space<vmem>>, vector<1x1024x32xf32>
      %get3A_720 = vector.shape_cast %get3A_719 : vector<1x1024x32xf32> to vector<1024x32xf32>
      %convert_element_type3A_721 = arith.truncf %get3A_720 : vector<1024x32xf32> to vector<1024x32xbf16>
      %convert_element_type3A_722 = arith.extf %convert_element_type3A_721 : vector<1024x32xbf16> to vector<1024x32xf32>
      %sub3A_723 = arith.subf %get3A_720, %convert_element_type3A_722 : vector<1024x32xf32>
      %convert_element_type3A_724 = arith.truncf %sub3A_723 : vector<1024x32xf32> to vector<1024x32xbf16>
      %convert_element_type3A_725 = arith.extf %convert_element_type3A_724 : vector<1024x32xbf16> to vector<1024x32xf32>
      %sub3A_726 = arith.subf %sub3A_723, %convert_element_type3A_725 : vector<1024x32xf32>
      %convert_element_type3A_727 = arith.truncf %sub3A_726 : vector<1024x32xf32> to vector<1024x32xbf16>
      %concatenate3A_728 = tpu.concatenate %convert_element_type3A_721, %convert_element_type3A_724, %convert_element_type3A_727, %convert_element_type3A_633, %convert_element_type3A_637, %broadcast_in_dim3A_639 in 1 : vector<1024x32xbf16>, vector<1024x32xbf16>, vector<1024x32xbf16>, vector<1024x1xbf16>, vector<1024x1xbf16>, vector<1024x1xbf16> -> vector<1024x99xbf16>
      %swap3A_729 = arith.constant 4 : index
      %swap3A_730 = arith.constant 0 : index
      %swap3A_731 = arith.constant 0 : index
      %swap3A_732 = vector.load %arg9[%swap3A_729, %swap3A_730, %swap3A_731] : memref<8x1024x99xbf16, #tpu.memory_space<vmem>>, vector<1x1024x99xbf16>
      %swap3A_733 = vector.shape_cast %swap3A_732 : vector<1x1024x99xbf16> to vector<1024x99xbf16>
      %swap3A_734 = vector.shape_cast %concatenate3A_728 : vector<1024x99xbf16> to vector<1x1024x99xbf16>
      tpu.vector_store %arg9[%swap3A_729, %swap3A_730, %swap3A_731], %swap3A_734 {strides = array<i32>} : memref<8x1024x99xbf16, #tpu.memory_space<vmem>>, vector<1x1024x99xbf16>,
      %get3A_735 = arith.constant 5 : index
      %get3A_736 = arith.constant 0 : index
      %get3A_737 = arith.constant 0 : index
      %get3A_738 = vector.load %arg4[%get3A_735, %get3A_736, %get3A_737] : memref<8x1024x32xf32, #tpu.memory_space<vmem>>, vector<1x1024x32xf32>
      %get3A_739 = vector.shape_cast %get3A_738 : vector<1x1024x32xf32> to vector<1024x32xf32>
      %convert_element_type3A_740 = arith.truncf %get3A_739 : vector<1024x32xf32> to vector<1024x32xbf16>
      %convert_element_type3A_741 = arith.extf %convert_element_type3A_740 : vector<1024x32xbf16> to vector<1024x32xf32>
      %sub3A_742 = arith.subf %get3A_739, %convert_element_type3A_741 : vector<1024x32xf32>
      %convert_element_type3A_743 = arith.truncf %sub3A_742 : vector<1024x32xf32> to vector<1024x32xbf16>
      %convert_element_type3A_744 = arith.extf %convert_element_type3A_743 : vector<1024x32xbf16> to vector<1024x32xf32>
      %sub3A_745 = arith.subf %sub3A_742, %convert_element_type3A_744 : vector<1024x32xf32>
      %convert_element_type3A_746 = arith.truncf %sub3A_745 : vector<1024x32xf32> to vector<1024x32xbf16>
      %concatenate3A_747 = tpu.concatenate %convert_element_type3A_740, %convert_element_type3A_743, %convert_element_type3A_746, %convert_element_type3A_633, %convert_element_type3A_637, %broadcast_in_dim3A_639 in 1 : vector<1024x32xbf16>, vector<1024x32xbf16>, vector<1024x32xbf16>, vector<1024x1xbf16>, vector<1024x1xbf16>, vector<1024x1xbf16> -> vector<1024x99xbf16>
      %swap3A_748 = arith.constant 5 : index
      %swap3A_749 = arith.constant 0 : index
      %swap3A_750 = arith.constant 0 : index
      %swap3A_751 = vector.load %arg9[%swap3A_748, %swap3A_749, %swap3A_750] : memref<8x1024x99xbf16, #tpu.memory_space<vmem>>, vector<1x1024x99xbf16>
      %swap3A_752 = vector.shape_cast %swap3A_751 : vector<1x1024x99xbf16> to vector<1024x99xbf16>
      %swap3A_753 = vector.shape_cast %concatenate3A_747 : vector<1024x99xbf16> to vector<1x1024x99xbf16>
      tpu.vector_store %arg9[%swap3A_748, %swap3A_749, %swap3A_750], %swap3A_753 {strides = array<i32>} : memref<8x1024x99xbf16, #tpu.memory_space<vmem>>, vector<1x1024x99xbf16>,
      %get3A_754 = arith.constant 6 : index
      %get3A_755 = arith.constant 0 : index
      %get3A_756 = arith.constant 0 : index
      %get3A_757 = vector.load %arg4[%get3A_754, %get3A_755, %get3A_756] : memref<8x1024x32xf32, #tpu.memory_space<vmem>>, vector<1x1024x32xf32>
      %get3A_758 = vector.shape_cast %get3A_757 : vector<1x1024x32xf32> to vector<1024x32xf32>
      %convert_element_type3A_759 = arith.truncf %get3A_758 : vector<1024x32xf32> to vector<1024x32xbf16>
      %convert_element_type3A_760 = arith.extf %convert_element_type3A_759 : vector<1024x32xbf16> to vector<1024x32xf32>
      %sub3A_761 = arith.subf %get3A_758, %convert_element_type3A_760 : vector<1024x32xf32>
      %convert_element_type3A_762 = arith.truncf %sub3A_761 : vector<1024x32xf32> to vector<1024x32xbf16>
      %convert_element_type3A_763 = arith.extf %convert_element_type3A_762 : vector<1024x32xbf16> to vector<1024x32xf32>
      %sub3A_764 = arith.subf %sub3A_761, %convert_element_type3A_763 : vector<1024x32xf32>
      %convert_element_type3A_765 = arith.truncf %sub3A_764 : vector<1024x32xf32> to vector<1024x32xbf16>
      %concatenate3A_766 = tpu.concatenate %convert_element_type3A_759, %convert_element_type3A_762, %convert_element_type3A_765, %convert_element_type3A_633, %convert_element_type3A_637, %broadcast_in_dim3A_639 in 1 : vector<1024x32xbf16>, vector<1024x32xbf16>, vector<1024x32xbf16>, vector<1024x1xbf16>, vector<1024x1xbf16>, vector<1024x1xbf16> -> vector<1024x99xbf16>
      %swap3A_767 = arith.constant 6 : index
      %swap3A_768 = arith.constant 0 : index
      %swap3A_769 = arith.constant 0 : index
      %swap3A_770 = vector.load %arg9[%swap3A_767, %swap3A_768, %swap3A_769] : memref<8x1024x99xbf16, #tpu.memory_space<vmem>>, vector<1x1024x99xbf16>
      %swap3A_771 = vector.shape_cast %swap3A_770 : vector<1x1024x99xbf16> to vector<1024x99xbf16>
      %swap3A_772 = vector.shape_cast %concatenate3A_766 : vector<1024x99xbf16> to vector<1x1024x99xbf16>
      tpu.vector_store %arg9[%swap3A_767, %swap3A_768, %swap3A_769], %swap3A_772 {strides = array<i32>} : memref<8x1024x99xbf16, #tpu.memory_space<vmem>>, vector<1x1024x99xbf16>,
      %get3A_773 = arith.constant 7 : index
      %get3A_774 = arith.constant 0 : index
      %get3A_775 = arith.constant 0 : index
      %get3A_776 = vector.load %arg4[%get3A_773, %get3A_774, %get3A_775] : memref<8x1024x32xf32, #tpu.memory_space<vmem>>, vector<1x1024x32xf32>
      %get3A_777 = vector.shape_cast %get3A_776 : vector<1x1024x32xf32> to vector<1024x32xf32>
      %convert_element_type3A_778 = arith.truncf %get3A_777 : vector<1024x32xf32> to vector<1024x32xbf16>
      %convert_element_type3A_779 = arith.extf %convert_element_type3A_778 : vector<1024x32xbf16> to vector<1024x32xf32>
      %sub3A_780 = arith.subf %get3A_777, %convert_element_type3A_779 : vector<1024x32xf32>
      %convert_element_type3A_781 = arith.truncf %sub3A_780 : vector<1024x32xf32> to vector<1024x32xbf16>
      %convert_element_type3A_782 = arith.extf %convert_element_type3A_781 : vector<1024x32xbf16> to vector<1024x32xf32>
      %sub3A_783 = arith.subf %sub3A_780, %convert_element_type3A_782 : vector<1024x32xf32>
      %convert_element_type3A_784 = arith.truncf %sub3A_783 : vector<1024x32xf32> to vector<1024x32xbf16>
      %concatenate3A_785 = tpu.concatenate %convert_element_type3A_778, %convert_element_type3A_781, %convert_element_type3A_784, %convert_element_type3A_633, %convert_element_type3A_637, %broadcast_in_dim3A_639 in 1 : vector<1024x32xbf16>, vector<1024x32xbf16>, vector<1024x32xbf16>, vector<1024x1xbf16>, vector<1024x1xbf16>, vector<1024x1xbf16> -> vector<1024x99xbf16>
      %swap3A_786 = arith.constant 7 : index
      %swap3A_787 = arith.constant 0 : index
      %swap3A_788 = arith.constant 0 : index
      %swap3A_789 = vector.load %arg9[%swap3A_786, %swap3A_787, %swap3A_788] : memref<8x1024x99xbf16, #tpu.memory_space<vmem>>, vector<1x1024x99xbf16>
      %swap3A_790 = vector.shape_cast %swap3A_789 : vector<1x1024x99xbf16> to vector<1024x99xbf16>
      %swap3A_791 = vector.shape_cast %concatenate3A_785 : vector<1024x99xbf16> to vector<1x1024x99xbf16>
      tpu.vector_store %arg9[%swap3A_786, %swap3A_787, %swap3A_788], %swap3A_791 {strides = array<i32>} : memref<8x1024x99xbf16, #tpu.memory_space<vmem>>, vector<1x1024x99xbf16>,
    } else {
    }
    %get3A = arith.constant 0 : index
    %get3A_2 = arith.constant 0 : index
    %get3A_3 = vector.load %arg1[%get3A, %get3A_2] : memref<1024x32xf32, #tpu.memory_space<vmem>>, vector<1024x32xf32>
    %broadcast_in_dim3A = arith.constant 0.000000e+00 : f32
    %broadcast_in_dim3A_4 = vector.broadcast %broadcast_in_dim3A : f32 to vector<1024x32xf32>
    %get3A_5 = arith.constant 0 : index
    %get3A_6 = arith.constant 0 : index
    %get3A_7 = arith.constant 0 : index
    %get3A_8 = vector.load %arg3[%get3A_5, %get3A_6, %get3A_7] : memref<8x32x1024xf32, #tpu.memory_space<vmem>>, vector<1x32x1024xf32>
    %get3A_9 = vector.shape_cast %get3A_8 : vector<1x32x1024xf32> to vector<32x1024xf32>
    %get3A_10 = arith.constant 0 : index
    %get3A_11 = arith.constant 0 : index
    %get3A_12 = arith.constant 0 : index
    %get3A_13 = vector.load %arg5[%get3A_10, %get3A_11, %get3A_12] : memref<8x1x1024xf32, #tpu.memory_space<vmem>>, vector<1x1x1024xf32>
    %get3A_14 = vector.shape_cast %get3A_13 : vector<1x1x1024xf32> to vector<1x1024xf32>
    %mul3A = arith.mulf %get3A_3, %get3A_3 : vector<1024x32xf32>
    %reduce_sum3A = arith.constant dense<0.000000e+00> : vector<1024xf32>
    %reduce_sum3A_15 = vector.multi_reduction <add>, %mul3A, %reduce_sum3A [1] : vector<1024x32xf32> to vector<1024xf32>
    %broadcast_in_dim3A_16 = vector.shape_cast %reduce_sum3A_15 : vector<1024xf32> to vector<1024x1xf32>
    %dot_general3A = arith.constant dense<0.000000e+00> : vector<1024x1024xf32>
    %dot_general3A_17 = tpu.matmul %get3A_3, %get3A_9, %dot_general3A {dimension_numbers = #tpu.dot_dimension_numbers<[1], [0], [0], [1], [0, 0, 1, 1], [], []>, transpose_lhs_hint = false} : vector<1024x32xf32>, vector<32x1024xf32>, vector<1024x1024xf32> -> vector<1024x1024xf32>
    %mul3A_18 = arith.constant 2.000000e+00 : f32
    %mul3A_19 = vector.broadcast %mul3A_18 : f32 to vector<1024x1024xf32>
    %mul3A_20 = arith.mulf %mul3A_19, %dot_general3A_17 : vector<1024x1024xf32>
    %sub3A = vector.broadcast %broadcast_in_dim3A_16 : vector<1024x1xf32> to vector<1024x1024xf32>
    %sub3A_21 = arith.subf %sub3A, %mul3A_20 : vector<1024x1024xf32>
    %add3A = vector.broadcast %get3A_14 : vector<1x1024xf32> to vector<1024x1024xf32>
    %add3A_22 = arith.addf %sub3A_21, %add3A : vector<1024x1024xf32>
    %reduce_min3A = arith.constant dense<0x7F800000> : vector<1024xf32>
    %reduce_min3A_23 = vector.multi_reduction <minimumf>, %add3A_22, %reduce_min3A [1] : vector<1024x1024xf32> to vector<1024xf32>
    %broadcast_in_dim3A_24 = vector.shape_cast %reduce_min3A_23 : vector<1024xf32> to vector<1024x1xf32>
    %eq3A_25 = vector.broadcast %broadcast_in_dim3A_24 : vector<1024x1xf32> to vector<1024x1024xf32>
    %eq3A_26 = arith.cmpf oeq, %add3A_22, %eq3A_25 : vector<1024x1024xf32>
    %convert_element_type3A_27 = arith.extui %eq3A_26 : vector<1024x1024xi1> to vector<1024x1024xi32>
    %convert_element_type3A_28 = arith.sitofp %convert_element_type3A_27 : vector<1024x1024xi32> to vector<1024x1024xf32>
    %convert_element_type3A_29 = arith.truncf %convert_element_type3A_28 : vector<1024x1024xf32> to vector<1024x1024xbf16>
    %get3A_30 = arith.constant 0 : index
    %get3A_31 = arith.constant 0 : index
    %get3A_32 = arith.constant 0 : index
    %get3A_33 = vector.load %arg9[%get3A_30, %get3A_31, %get3A_32] : memref<8x1024x99xbf16, #tpu.memory_space<vmem>>, vector<1x1024x99xbf16>
    %get3A_34 = vector.shape_cast %get3A_33 : vector<1x1024x99xbf16> to vector<1024x99xbf16>
    %dot_general3A_35 = arith.constant dense<0.000000e+00> : vector<1024x99xf32>
    %dot_general3A_36 = tpu.matmul %convert_element_type3A_29, %get3A_34, %dot_general3A_35 {dimension_numbers = #tpu.dot_dimension_numbers<[1], [0], [0], [1], [0, 0, 1, 1], [], []>, transpose_lhs_hint = false} : vector<1024x1024xbf16>, vector<1024x99xbf16>, vector<1024x99xf32> -> vector<1024x99xf32>
    %slice3A = vector.extract_strided_slice %dot_general3A_36 {offsets = [0, 0], sizes = [1024, 32], strides = [1, 1]} : vector<1024x99xf32> to vector<1024x32xf32>
    %slice3A_37 = vector.extract_strided_slice %dot_general3A_36 {offsets = [0, 32], sizes = [1024, 32], strides = [1, 1]} : vector<1024x99xf32> to vector<1024x32xf32>
    %add3A_38 = arith.addf %slice3A, %slice3A_37 : vector<1024x32xf32>
    %slice3A_39 = vector.extract_strided_slice %dot_general3A_36 {offsets = [0, 64], sizes = [1024, 32], strides = [1, 1]} : vector<1024x99xf32> to vector<1024x32xf32>
    %add3A_40 = arith.addf %add3A_38, %slice3A_39 : vector<1024x32xf32>
    %slice3A_41 = vector.extract_strided_slice %dot_general3A_36 {offsets = [0, 96], sizes = [1024, 1], strides = [1, 1]} : vector<1024x99xf32> to vector<1024x1xf32>
    %slice3A_42 = vector.extract_strided_slice %dot_general3A_36 {offsets = [0, 97], sizes = [1024, 1], strides = [1, 1]} : vector<1024x99xf32> to vector<1024x1xf32>
    %add3A_43 = arith.addf %slice3A_41, %slice3A_42 : vector<1024x1xf32>
    %slice3A_44 = vector.extract_strided_slice %dot_general3A_36 {offsets = [0, 98], sizes = [1024, 1], strides = [1, 1]} : vector<1024x99xf32> to vector<1024x1xf32>
    %swap3A = arith.constant 0 : index
    %swap3A_45 = arith.constant 0 : index
    %swap3A_46 = vector.load %arg10[%swap3A, %swap3A_45] : memref<1024x32xf32, #tpu.memory_space<vmem>>, vector<1024x32xf32>
    tpu.vector_store %arg10[%swap3A, %swap3A_45], %add3A_40 {strides = array<i32>} : memref<1024x32xf32, #tpu.memory_space<vmem>>, vector<1024x32xf32>,
    %convert_element_type3A_47 = arith.fptosi %add3A_43 : vector<1024x1xf32> to vector<1024x1xi32>
    %swap3A_48 = arith.constant 0 : index
    %swap3A_49 = arith.constant 0 : index
    %swap3A_50 = vector.load %arg11[%swap3A_48, %swap3A_49] : memref<1024x1xi32, #tpu.memory_space<vmem>>, vector<1024x1xi32>
    tpu.vector_store %arg11[%swap3A_48, %swap3A_49], %convert_element_type3A_47 {strides = array<i32>} : memref<1024x1xi32, #tpu.memory_space<vmem>>, vector<1024x1xi32>,
    %reduce_max3A = vector.shape_cast %slice3A_44 : vector<1024x1xf32> to vector<1x1024x1xf32>
    %reduce_max3A_51 = arith.constant dense<0xFF800000> : vector<1xf32>
    %reduce_max3A_52 = vector.multi_reduction <maximumf>, %reduce_max3A, %reduce_max3A_51 [1, 2] : vector<1x1024x1xf32> to vector<1xf32>
    %reduce_max3A_53 = vector.shape_cast %reduce_max3A_52 : vector<1xf32> to vector<1x1x1xf32>
    %reduce_max3A_54 = vector.extract %reduce_max3A_53[0, 0, 0] : f32 from vector<1x1x1xf32>
    %gt3A = arith.constant 1.000000e+00 : f32
    %gt3A_55 = arith.cmpf ogt, %reduce_max3A_54, %gt3A : f32
    %convert_element_type3A_56 = arith.extui %gt3A_55 : i1 to i32
    %cond3A_57 = arith.constant 0 : i32
    %cond3A_58 = arith.cmpi ne, %convert_element_type3A_56, %cond3A_57 : i32
    scf.if %cond3A_58 {
      %iota3A = tpu.iota {dimensions = array<i32: 1>} : vector<1024x1024xi32>
      %eq3A_631 = vector.broadcast %broadcast_in_dim3A_24 : vector<1024x1xf32> to vector<1024x1024xf32>
      %eq3A_632 = arith.cmpf oeq, %add3A_22, %eq3A_631 : vector<1024x1024xf32>
      %jit3A = arith.constant 1024 : i32
      %broadcast_in_dim3A_633 = vector.broadcast %jit3A : i32 to vector<1024x1024xi32>
      %select_n3A = arith.select %eq3A_632, %iota3A, %broadcast_in_dim3A_633 : vector<1024x1024xi1>, vector<1024x1024xi32>
      %reduce_min3A_634 = arith.constant dense<2147483647> : vector<1024xi32>
      %reduce_min3A_635 = vector.multi_reduction <minsi>, %select_n3A, %reduce_min3A_634 [1] : vector<1024x1024xi32> to vector<1024xi32>
      %broadcast_in_dim3A_636 = vector.shape_cast %reduce_min3A_635 : vector<1024xi32> to vector<1024x1xi32>
      %eq3A_637 = vector.broadcast %broadcast_in_dim3A_636 : vector<1024x1xi32> to vector<1024x1024xi32>
      %eq3A_638 = arith.cmpi eq, %iota3A, %eq3A_637 : vector<1024x1024xi32>
      %convert_element_type3A_639 = arith.extui %eq3A_638 : vector<1024x1024xi1> to vector<1024x1024xi32>
      %convert_element_type3A_640 = arith.sitofp %convert_element_type3A_639 : vector<1024x1024xi32> to vector<1024x1024xf32>
      %convert_element_type3A_641 = arith.truncf %convert_element_type3A_640 : vector<1024x1024xf32> to vector<1024x1024xbf16>
      %get3A_642 = arith.constant 0 : index
      %get3A_643 = arith.constant 0 : index
      %get3A_644 = arith.constant 0 : index
      %get3A_645 = vector.load %arg9[%get3A_642, %get3A_643, %get3A_644] : memref<8x1024x99xbf16, #tpu.memory_space<vmem>>, vector<1x1024x99xbf16>
      %get3A_646 = vector.shape_cast %get3A_645 : vector<1x1024x99xbf16> to vector<1024x99xbf16>
      %dot_general3A_647 = arith.constant dense<0.000000e+00> : vector<1024x99xf32>
      %dot_general3A_648 = tpu.matmul %convert_element_type3A_641, %get3A_646, %dot_general3A_647 {dimension_numbers = #tpu.dot_dimension_numbers<[1], [0], [0], [1], [0, 0, 1, 1], [], []>, transpose_lhs_hint = false} : vector<1024x1024xbf16>, vector<1024x99xbf16>, vector<1024x99xf32> -> vector<1024x99xf32>
      %slice3A_649 = vector.extract_strided_slice %dot_general3A_648 {offsets = [0, 0], sizes = [1024, 32], strides = [1, 1]} : vector<1024x99xf32> to vector<1024x32xf32>
      %slice3A_650 = vector.extract_strided_slice %dot_general3A_648 {offsets = [0, 32], sizes = [1024, 32], strides = [1, 1]} : vector<1024x99xf32> to vector<1024x32xf32>
      %add3A_651 = arith.addf %slice3A_649, %slice3A_650 : vector<1024x32xf32>
      %slice3A_652 = vector.extract_strided_slice %dot_general3A_648 {offsets = [0, 64], sizes = [1024, 32], strides = [1, 1]} : vector<1024x99xf32> to vector<1024x32xf32>
      %add3A_653 = arith.addf %add3A_651, %slice3A_652 : vector<1024x32xf32>
      %swap3A_654 = arith.constant 0 : index
      %swap3A_655 = arith.constant 0 : index
      %swap3A_656 = vector.load %arg10[%swap3A_654, %swap3A_655] : memref<1024x32xf32, #tpu.memory_space<vmem>>, vector<1024x32xf32>
      tpu.vector_store %arg10[%swap3A_654, %swap3A_655], %add3A_653 {strides = array<i32>} : memref<1024x32xf32, #tpu.memory_space<vmem>>, vector<1024x32xf32>,
      %swap3A_657 = arith.constant 0 : index
      %swap3A_658 = arith.constant 0 : index
      %swap3A_659 = vector.load %arg11[%swap3A_657, %swap3A_658] : memref<1024x1xi32, #tpu.memory_space<vmem>>, vector<1024x1xi32>
      tpu.vector_store %arg11[%swap3A_657, %swap3A_658], %broadcast_in_dim3A_636 {strides = array<i32>} : memref<1024x1xi32, #tpu.memory_space<vmem>>, vector<1024x1xi32>,
    } else {
    }
    %get3A_59 = arith.constant 0 : index
    %get3A_60 = arith.constant 0 : index
    %get3A_61 = vector.load %arg10[%get3A_59, %get3A_60] : memref<1024x32xf32, #tpu.memory_space<vmem>>, vector<1024x32xf32>
    %sub3A_62 = arith.subf %get3A_3, %get3A_61 : vector<1024x32xf32>
    %add3A_63 = arith.addf %broadcast_in_dim3A_4, %get3A_61 : vector<1024x32xf32>
    %swap3A_64 = arith.constant 0 : index
    %swap3A_65 = arith.constant 0 : index
    %swap3A_66 = arith.constant 0 : index
    %swap3A_67 = vector.load %arg7[%swap3A_64, %swap3A_65, %swap3A_66] : memref<8x1024x32xf32, #tpu.memory_space<vmem>>, vector<1x1024x32xf32>
    %swap3A_68 = vector.shape_cast %swap3A_67 : vector<1x1024x32xf32> to vector<1024x32xf32>
    %swap3A_69 = vector.shape_cast %get3A_61 : vector<1024x32xf32> to vector<1x1024x32xf32>
    tpu.vector_store %arg7[%swap3A_64, %swap3A_65, %swap3A_66], %swap3A_69 {strides = array<i32>} : memref<8x1024x32xf32, #tpu.memory_space<vmem>>, vector<1x1024x32xf32>,
    %get3A_70 = arith.constant 0 : index
    %get3A_71 = arith.constant 0 : index
    %get3A_72 = vector.load %arg11[%get3A_70, %get3A_71] : memref<1024x1xi32, #tpu.memory_space<vmem>>, vector<1024x1xi32>
    %get3A_73 = arith.constant 1 : index
    %get3A_74 = arith.constant 0 : index
    %get3A_75 = arith.constant 0 : index
    %get3A_76 = vector.load %arg3[%get3A_73, %get3A_74, %get3A_75] : memref<8x32x1024xf32, #tpu.memory_space<vmem>>, vector<1x32x1024xf32>
    %get3A_77 = vector.shape_cast %get3A_76 : vector<1x32x1024xf32> to vector<32x1024xf32>
    %get3A_78 = arith.constant 1 : index
    %get3A_79 = arith.constant 0 : index
    %get3A_80 = arith.constant 0 : index
    %get3A_81 = vector.load %arg5[%get3A_78, %get3A_79, %get3A_80] : memref<8x1x1024xf32, #tpu.memory_space<vmem>>, vector<1x1x1024xf32>
    %get3A_82 = vector.shape_cast %get3A_81 : vector<1x1x1024xf32> to vector<1x1024xf32>
    %mul3A_83 = arith.mulf %sub3A_62, %sub3A_62 : vector<1024x32xf32>
    %reduce_sum3A_84 = arith.constant dense<0.000000e+00> : vector<1024xf32>
    %reduce_sum3A_85 = vector.multi_reduction <add>, %mul3A_83, %reduce_sum3A_84 [1] : vector<1024x32xf32> to vector<1024xf32>
    %broadcast_in_dim3A_86 = vector.shape_cast %reduce_sum3A_85 : vector<1024xf32> to vector<1024x1xf32>
    %dot_general3A_87 = arith.constant dense<0.000000e+00> : vector<1024x1024xf32>
    %dot_general3A_88 = tpu.matmul %sub3A_62, %get3A_77, %dot_general3A_87 {dimension_numbers = #tpu.dot_dimension_numbers<[1], [0], [0], [1], [0, 0, 1, 1], [], []>, transpose_lhs_hint = false} : vector<1024x32xf32>, vector<32x1024xf32>, vector<1024x1024xf32> -> vector<1024x1024xf32>
    %mul3A_89 = arith.constant 2.000000e+00 : f32
    %mul3A_90 = vector.broadcast %mul3A_89 : f32 to vector<1024x1024xf32>
    %mul3A_91 = arith.mulf %mul3A_90, %dot_general3A_88 : vector<1024x1024xf32>
    %sub3A_92 = vector.broadcast %broadcast_in_dim3A_86 : vector<1024x1xf32> to vector<1024x1024xf32>
    %sub3A_93 = arith.subf %sub3A_92, %mul3A_91 : vector<1024x1024xf32>
    %add3A_94 = vector.broadcast %get3A_82 : vector<1x1024xf32> to vector<1024x1024xf32>
    %add3A_95 = arith.addf %sub3A_93, %add3A_94 : vector<1024x1024xf32>
    %reduce_min3A_96 = arith.constant dense<0x7F800000> : vector<1024xf32>
    %reduce_min3A_97 = vector.multi_reduction <minimumf>, %add3A_95, %reduce_min3A_96 [1] : vector<1024x1024xf32> to vector<1024xf32>
    %broadcast_in_dim3A_98 = vector.shape_cast %reduce_min3A_97 : vector<1024xf32> to vector<1024x1xf32>
    %eq3A_99 = vector.broadcast %broadcast_in_dim3A_98 : vector<1024x1xf32> to vector<1024x1024xf32>
    %eq3A_100 = arith.cmpf oeq, %add3A_95, %eq3A_99 : vector<1024x1024xf32>
    %convert_element_type3A_101 = arith.extui %eq3A_100 : vector<1024x1024xi1> to vector<1024x1024xi32>
    %convert_element_type3A_102 = arith.sitofp %convert_element_type3A_101 : vector<1024x1024xi32> to vector<1024x1024xf32>
    %convert_element_type3A_103 = arith.truncf %convert_element_type3A_102 : vector<1024x1024xf32> to vector<1024x1024xbf16>
    %get3A_104 = arith.constant 1 : index
    %get3A_105 = arith.constant 0 : index
    %get3A_106 = arith.constant 0 : index
    %get3A_107 = vector.load %arg9[%get3A_104, %get3A_105, %get3A_106] : memref<8x1024x99xbf16, #tpu.memory_space<vmem>>, vector<1x1024x99xbf16>
    %get3A_108 = vector.shape_cast %get3A_107 : vector<1x1024x99xbf16> to vector<1024x99xbf16>
    %dot_general3A_109 = arith.constant dense<0.000000e+00> : vector<1024x99xf32>
    %dot_general3A_110 = tpu.matmul %convert_element_type3A_103, %get3A_108, %dot_general3A_109 {dimension_numbers = #tpu.dot_dimension_numbers<[1], [0], [0], [1], [0, 0, 1, 1], [], []>, transpose_lhs_hint = false} : vector<1024x1024xbf16>, vector<1024x99xbf16>, vector<1024x99xf32> -> vector<1024x99xf32>
    %slice3A_111 = vector.extract_strided_slice %dot_general3A_110 {offsets = [0, 0], sizes = [1024, 32], strides = [1, 1]} : vector<1024x99xf32> to vector<1024x32xf32>
    %slice3A_112 = vector.extract_strided_slice %dot_general3A_110 {offsets = [0, 32], sizes = [1024, 32], strides = [1, 1]} : vector<1024x99xf32> to vector<1024x32xf32>
    %add3A_113 = arith.addf %slice3A_111, %slice3A_112 : vector<1024x32xf32>
    %slice3A_114 = vector.extract_strided_slice %dot_general3A_110 {offsets = [0, 64], sizes = [1024, 32], strides = [1, 1]} : vector<1024x99xf32> to vector<1024x32xf32>
    %add3A_115 = arith.addf %add3A_113, %slice3A_114 : vector<1024x32xf32>
    %slice3A_116 = vector.extract_strided_slice %dot_general3A_110 {offsets = [0, 96], sizes = [1024, 1], strides = [1, 1]} : vector<1024x99xf32> to vector<1024x1xf32>
    %slice3A_117 = vector.extract_strided_slice %dot_general3A_110 {offsets = [0, 97], sizes = [1024, 1], strides = [1, 1]} : vector<1024x99xf32> to vector<1024x1xf32>
    %add3A_118 = arith.addf %slice3A_116, %slice3A_117 : vector<1024x1xf32>
    %slice3A_119 = vector.extract_strided_slice %dot_general3A_110 {offsets = [0, 98], sizes = [1024, 1], strides = [1, 1]} : vector<1024x99xf32> to vector<1024x1xf32>
    %swap3A_120 = arith.constant 0 : index
    %swap3A_121 = arith.constant 0 : index
    %swap3A_122 = vector.load %arg10[%swap3A_120, %swap3A_121] : memref<1024x32xf32, #tpu.memory_space<vmem>>, vector<1024x32xf32>
    tpu.vector_store %arg10[%swap3A_120, %swap3A_121], %add3A_115 {strides = array<i32>} : memref<1024x32xf32, #tpu.memory_space<vmem>>, vector<1024x32xf32>,
    %convert_element_type3A_123 = arith.fptosi %add3A_118 : vector<1024x1xf32> to vector<1024x1xi32>
    %swap3A_124 = arith.constant 0 : index
    %swap3A_125 = arith.constant 0 : index
    %swap3A_126 = vector.load %arg11[%swap3A_124, %swap3A_125] : memref<1024x1xi32, #tpu.memory_space<vmem>>, vector<1024x1xi32>
    tpu.vector_store %arg11[%swap3A_124, %swap3A_125], %convert_element_type3A_123 {strides = array<i32>} : memref<1024x1xi32, #tpu.memory_space<vmem>>, vector<1024x1xi32>,
    %reduce_max3A_127 = vector.shape_cast %slice3A_119 : vector<1024x1xf32> to vector<1x1024x1xf32>
    %reduce_max3A_128 = arith.constant dense<0xFF800000> : vector<1xf32>
    %reduce_max3A_129 = vector.multi_reduction <maximumf>, %reduce_max3A_127, %reduce_max3A_128 [1, 2] : vector<1x1024x1xf32> to vector<1xf32>
    %reduce_max3A_130 = vector.shape_cast %reduce_max3A_129 : vector<1xf32> to vector<1x1x1xf32>
    %reduce_max3A_131 = vector.extract %reduce_max3A_130[0, 0, 0] : f32 from vector<1x1x1xf32>
    %gt3A_132 = arith.constant 1.000000e+00 : f32
    %gt3A_133 = arith.cmpf ogt, %reduce_max3A_131, %gt3A_132 : f32
    %convert_element_type3A_134 = arith.extui %gt3A_133 : i1 to i32
    %cond3A_135 = arith.constant 0 : i32
    %cond3A_136 = arith.cmpi ne, %convert_element_type3A_134, %cond3A_135 : i32
    scf.if %cond3A_136 {
      %iota3A = tpu.iota {dimensions = array<i32: 1>} : vector<1024x1024xi32>
      %eq3A_631 = vector.broadcast %broadcast_in_dim3A_98 : vector<1024x1xf32> to vector<1024x1024xf32>
      %eq3A_632 = arith.cmpf oeq, %add3A_95, %eq3A_631 : vector<1024x1024xf32>
      %jit3A = arith.constant 1024 : i32
      %broadcast_in_dim3A_633 = vector.broadcast %jit3A : i32 to vector<1024x1024xi32>
      %select_n3A = arith.select %eq3A_632, %iota3A, %broadcast_in_dim3A_633 : vector<1024x1024xi1>, vector<1024x1024xi32>
      %reduce_min3A_634 = arith.constant dense<2147483647> : vector<1024xi32>
      %reduce_min3A_635 = vector.multi_reduction <minsi>, %select_n3A, %reduce_min3A_634 [1] : vector<1024x1024xi32> to vector<1024xi32>
      %broadcast_in_dim3A_636 = vector.shape_cast %reduce_min3A_635 : vector<1024xi32> to vector<1024x1xi32>
      %eq3A_637 = vector.broadcast %broadcast_in_dim3A_636 : vector<1024x1xi32> to vector<1024x1024xi32>
      %eq3A_638 = arith.cmpi eq, %iota3A, %eq3A_637 : vector<1024x1024xi32>
      %convert_element_type3A_639 = arith.extui %eq3A_638 : vector<1024x1024xi1> to vector<1024x1024xi32>
      %convert_element_type3A_640 = arith.sitofp %convert_element_type3A_639 : vector<1024x1024xi32> to vector<1024x1024xf32>
      %convert_element_type3A_641 = arith.truncf %convert_element_type3A_640 : vector<1024x1024xf32> to vector<1024x1024xbf16>
      %get3A_642 = arith.constant 1 : index
      %get3A_643 = arith.constant 0 : index
      %get3A_644 = arith.constant 0 : index
      %get3A_645 = vector.load %arg9[%get3A_642, %get3A_643, %get3A_644] : memref<8x1024x99xbf16, #tpu.memory_space<vmem>>, vector<1x1024x99xbf16>
      %get3A_646 = vector.shape_cast %get3A_645 : vector<1x1024x99xbf16> to vector<1024x99xbf16>
      %dot_general3A_647 = arith.constant dense<0.000000e+00> : vector<1024x99xf32>
      %dot_general3A_648 = tpu.matmul %convert_element_type3A_641, %get3A_646, %dot_general3A_647 {dimension_numbers = #tpu.dot_dimension_numbers<[1], [0], [0], [1], [0, 0, 1, 1], [], []>, transpose_lhs_hint = false} : vector<1024x1024xbf16>, vector<1024x99xbf16>, vector<1024x99xf32> -> vector<1024x99xf32>
      %slice3A_649 = vector.extract_strided_slice %dot_general3A_648 {offsets = [0, 0], sizes = [1024, 32], strides = [1, 1]} : vector<1024x99xf32> to vector<1024x32xf32>
      %slice3A_650 = vector.extract_strided_slice %dot_general3A_648 {offsets = [0, 32], sizes = [1024, 32], strides = [1, 1]} : vector<1024x99xf32> to vector<1024x32xf32>
      %add3A_651 = arith.addf %slice3A_649, %slice3A_650 : vector<1024x32xf32>
      %slice3A_652 = vector.extract_strided_slice %dot_general3A_648 {offsets = [0, 64], sizes = [1024, 32], strides = [1, 1]} : vector<1024x99xf32> to vector<1024x32xf32>
      %add3A_653 = arith.addf %add3A_651, %slice3A_652 : vector<1024x32xf32>
      %swap3A_654 = arith.constant 0 : index
      %swap3A_655 = arith.constant 0 : index
      %swap3A_656 = vector.load %arg10[%swap3A_654, %swap3A_655] : memref<1024x32xf32, #tpu.memory_space<vmem>>, vector<1024x32xf32>
      tpu.vector_store %arg10[%swap3A_654, %swap3A_655], %add3A_653 {strides = array<i32>} : memref<1024x32xf32, #tpu.memory_space<vmem>>, vector<1024x32xf32>,
      %swap3A_657 = arith.constant 0 : index
      %swap3A_658 = arith.constant 0 : index
      %swap3A_659 = vector.load %arg11[%swap3A_657, %swap3A_658] : memref<1024x1xi32, #tpu.memory_space<vmem>>, vector<1024x1xi32>
      tpu.vector_store %arg11[%swap3A_657, %swap3A_658], %broadcast_in_dim3A_636 {strides = array<i32>} : memref<1024x1xi32, #tpu.memory_space<vmem>>, vector<1024x1xi32>,
    } else {
    }
    %get3A_137 = arith.constant 0 : index
    %get3A_138 = arith.constant 0 : index
    %get3A_139 = vector.load %arg10[%get3A_137, %get3A_138] : memref<1024x32xf32, #tpu.memory_space<vmem>>, vector<1024x32xf32>
    %sub3A_140 = arith.subf %sub3A_62, %get3A_139 : vector<1024x32xf32>
    %add3A_141 = arith.addf %add3A_63, %get3A_139 : vector<1024x32xf32>
    %swap3A_142 = arith.constant 1 : index
    %swap3A_143 = arith.constant 0 : index
    %swap3A_144 = arith.constant 0 : index
    %swap3A_145 = vector.load %arg7[%swap3A_142, %swap3A_143, %swap3A_144] : memref<8x1024x32xf32, #tpu.memory_space<vmem>>, vector<1x1024x32xf32>
    %swap3A_146 = vector.shape_cast %swap3A_145 : vector<1x1024x32xf32> to vector<1024x32xf32>
    %swap3A_147 = vector.shape_cast %get3A_139 : vector<1024x32xf32> to vector<1x1024x32xf32>
    tpu.vector_store %arg7[%swap3A_142, %swap3A_143, %swap3A_144], %swap3A_147 {strides = array<i32>} : memref<8x1024x32xf32, #tpu.memory_space<vmem>>, vector<1x1024x32xf32>,
    %get3A_148 = arith.constant 0 : index
    %get3A_149 = arith.constant 0 : index
    %get3A_150 = vector.load %arg11[%get3A_148, %get3A_149] : memref<1024x1xi32, #tpu.memory_space<vmem>>, vector<1024x1xi32>
    %get3A_151 = arith.constant 2 : index
    %get3A_152 = arith.constant 0 : index
    %get3A_153 = arith.constant 0 : index
    %get3A_154 = vector.load %arg3[%get3A_151, %get3A_152, %get3A_153] : memref<8x32x1024xf32, #tpu.memory_space<vmem>>, vector<1x32x1024xf32>
    %get3A_155 = vector.shape_cast %get3A_154 : vector<1x32x1024xf32> to vector<32x1024xf32>
    %get3A_156 = arith.constant 2 : index
    %get3A_157 = arith.constant 0 : index
    %get3A_158 = arith.constant 0 : index
    %get3A_159 = vector.load %arg5[%get3A_156, %get3A_157, %get3A_158] : memref<8x1x1024xf32, #tpu.memory_space<vmem>>, vector<1x1x1024xf32>
    %get3A_160 = vector.shape_cast %get3A_159 : vector<1x1x1024xf32> to vector<1x1024xf32>
    %mul3A_161 = arith.mulf %sub3A_140, %sub3A_140 : vector<1024x32xf32>
    %reduce_sum3A_162 = arith.constant dense<0.000000e+00> : vector<1024xf32>
    %reduce_sum3A_163 = vector.multi_reduction <add>, %mul3A_161, %reduce_sum3A_162 [1] : vector<1024x32xf32> to vector<1024xf32>
    %broadcast_in_dim3A_164 = vector.shape_cast %reduce_sum3A_163 : vector<1024xf32> to vector<1024x1xf32>
    %dot_general3A_165 = arith.constant dense<0.000000e+00> : vector<1024x1024xf32>
    %dot_general3A_166 = tpu.matmul %sub3A_140, %get3A_155, %dot_general3A_165 {dimension_numbers = #tpu.dot_dimension_numbers<[1], [0], [0], [1], [0, 0, 1, 1], [], []>, transpose_lhs_hint = false} : vector<1024x32xf32>, vector<32x1024xf32>, vector<1024x1024xf32> -> vector<1024x1024xf32>
    %mul3A_167 = arith.constant 2.000000e+00 : f32
    %mul3A_168 = vector.broadcast %mul3A_167 : f32 to vector<1024x1024xf32>
    %mul3A_169 = arith.mulf %mul3A_168, %dot_general3A_166 : vector<1024x1024xf32>
    %sub3A_170 = vector.broadcast %broadcast_in_dim3A_164 : vector<1024x1xf32> to vector<1024x1024xf32>
    %sub3A_171 = arith.subf %sub3A_170, %mul3A_169 : vector<1024x1024xf32>
    %add3A_172 = vector.broadcast %get3A_160 : vector<1x1024xf32> to vector<1024x1024xf32>
    %add3A_173 = arith.addf %sub3A_171, %add3A_172 : vector<1024x1024xf32>
    %reduce_min3A_174 = arith.constant dense<0x7F800000> : vector<1024xf32>
    %reduce_min3A_175 = vector.multi_reduction <minimumf>, %add3A_173, %reduce_min3A_174 [1] : vector<1024x1024xf32> to vector<1024xf32>
    %broadcast_in_dim3A_176 = vector.shape_cast %reduce_min3A_175 : vector<1024xf32> to vector<1024x1xf32>
    %eq3A_177 = vector.broadcast %broadcast_in_dim3A_176 : vector<1024x1xf32> to vector<1024x1024xf32>
    %eq3A_178 = arith.cmpf oeq, %add3A_173, %eq3A_177 : vector<1024x1024xf32>
    %convert_element_type3A_179 = arith.extui %eq3A_178 : vector<1024x1024xi1> to vector<1024x1024xi32>
    %convert_element_type3A_180 = arith.sitofp %convert_element_type3A_179 : vector<1024x1024xi32> to vector<1024x1024xf32>
    %convert_element_type3A_181 = arith.truncf %convert_element_type3A_180 : vector<1024x1024xf32> to vector<1024x1024xbf16>
    %get3A_182 = arith.constant 2 : index
    %get3A_183 = arith.constant 0 : index
    %get3A_184 = arith.constant 0 : index
    %get3A_185 = vector.load %arg9[%get3A_182, %get3A_183, %get3A_184] : memref<8x1024x99xbf16, #tpu.memory_space<vmem>>, vector<1x1024x99xbf16>
    %get3A_186 = vector.shape_cast %get3A_185 : vector<1x1024x99xbf16> to vector<1024x99xbf16>
    %dot_general3A_187 = arith.constant dense<0.000000e+00> : vector<1024x99xf32>
    %dot_general3A_188 = tpu.matmul %convert_element_type3A_181, %get3A_186, %dot_general3A_187 {dimension_numbers = #tpu.dot_dimension_numbers<[1], [0], [0], [1], [0, 0, 1, 1], [], []>, transpose_lhs_hint = false} : vector<1024x1024xbf16>, vector<1024x99xbf16>, vector<1024x99xf32> -> vector<1024x99xf32>
    %slice3A_189 = vector.extract_strided_slice %dot_general3A_188 {offsets = [0, 0], sizes = [1024, 32], strides = [1, 1]} : vector<1024x99xf32> to vector<1024x32xf32>
    %slice3A_190 = vector.extract_strided_slice %dot_general3A_188 {offsets = [0, 32], sizes = [1024, 32], strides = [1, 1]} : vector<1024x99xf32> to vector<1024x32xf32>
    %add3A_191 = arith.addf %slice3A_189, %slice3A_190 : vector<1024x32xf32>
    %slice3A_192 = vector.extract_strided_slice %dot_general3A_188 {offsets = [0, 64], sizes = [1024, 32], strides = [1, 1]} : vector<1024x99xf32> to vector<1024x32xf32>
    %add3A_193 = arith.addf %add3A_191, %slice3A_192 : vector<1024x32xf32>
    %slice3A_194 = vector.extract_strided_slice %dot_general3A_188 {offsets = [0, 96], sizes = [1024, 1], strides = [1, 1]} : vector<1024x99xf32> to vector<1024x1xf32>
    %slice3A_195 = vector.extract_strided_slice %dot_general3A_188 {offsets = [0, 97], sizes = [1024, 1], strides = [1, 1]} : vector<1024x99xf32> to vector<1024x1xf32>
    %add3A_196 = arith.addf %slice3A_194, %slice3A_195 : vector<1024x1xf32>
    %slice3A_197 = vector.extract_strided_slice %dot_general3A_188 {offsets = [0, 98], sizes = [1024, 1], strides = [1, 1]} : vector<1024x99xf32> to vector<1024x1xf32>
    %swap3A_198 = arith.constant 0 : index
    %swap3A_199 = arith.constant 0 : index
    %swap3A_200 = vector.load %arg10[%swap3A_198, %swap3A_199] : memref<1024x32xf32, #tpu.memory_space<vmem>>, vector<1024x32xf32>
    tpu.vector_store %arg10[%swap3A_198, %swap3A_199], %add3A_193 {strides = array<i32>} : memref<1024x32xf32, #tpu.memory_space<vmem>>, vector<1024x32xf32>,
    %convert_element_type3A_201 = arith.fptosi %add3A_196 : vector<1024x1xf32> to vector<1024x1xi32>
    %swap3A_202 = arith.constant 0 : index
    %swap3A_203 = arith.constant 0 : index
    %swap3A_204 = vector.load %arg11[%swap3A_202, %swap3A_203] : memref<1024x1xi32, #tpu.memory_space<vmem>>, vector<1024x1xi32>
    tpu.vector_store %arg11[%swap3A_202, %swap3A_203], %convert_element_type3A_201 {strides = array<i32>} : memref<1024x1xi32, #tpu.memory_space<vmem>>, vector<1024x1xi32>,
    %reduce_max3A_205 = vector.shape_cast %slice3A_197 : vector<1024x1xf32> to vector<1x1024x1xf32>
    %reduce_max3A_206 = arith.constant dense<0xFF800000> : vector<1xf32>
    %reduce_max3A_207 = vector.multi_reduction <maximumf>, %reduce_max3A_205, %reduce_max3A_206 [1, 2] : vector<1x1024x1xf32> to vector<1xf32>
    %reduce_max3A_208 = vector.shape_cast %reduce_max3A_207 : vector<1xf32> to vector<1x1x1xf32>
    %reduce_max3A_209 = vector.extract %reduce_max3A_208[0, 0, 0] : f32 from vector<1x1x1xf32>
    %gt3A_210 = arith.constant 1.000000e+00 : f32
    %gt3A_211 = arith.cmpf ogt, %reduce_max3A_209, %gt3A_210 : f32
    %convert_element_type3A_212 = arith.extui %gt3A_211 : i1 to i32
    %cond3A_213 = arith.constant 0 : i32
    %cond3A_214 = arith.cmpi ne, %convert_element_type3A_212, %cond3A_213 : i32
    scf.if %cond3A_214 {
      %iota3A = tpu.iota {dimensions = array<i32: 1>} : vector<1024x1024xi32>
      %eq3A_631 = vector.broadcast %broadcast_in_dim3A_176 : vector<1024x1xf32> to vector<1024x1024xf32>
      %eq3A_632 = arith.cmpf oeq, %add3A_173, %eq3A_631 : vector<1024x1024xf32>
      %jit3A = arith.constant 1024 : i32
      %broadcast_in_dim3A_633 = vector.broadcast %jit3A : i32 to vector<1024x1024xi32>
      %select_n3A = arith.select %eq3A_632, %iota3A, %broadcast_in_dim3A_633 : vector<1024x1024xi1>, vector<1024x1024xi32>
      %reduce_min3A_634 = arith.constant dense<2147483647> : vector<1024xi32>
      %reduce_min3A_635 = vector.multi_reduction <minsi>, %select_n3A, %reduce_min3A_634 [1] : vector<1024x1024xi32> to vector<1024xi32>
      %broadcast_in_dim3A_636 = vector.shape_cast %reduce_min3A_635 : vector<1024xi32> to vector<1024x1xi32>
      %eq3A_637 = vector.broadcast %broadcast_in_dim3A_636 : vector<1024x1xi32> to vector<1024x1024xi32>
      %eq3A_638 = arith.cmpi eq, %iota3A, %eq3A_637 : vector<1024x1024xi32>
      %convert_element_type3A_639 = arith.extui %eq3A_638 : vector<1024x1024xi1> to vector<1024x1024xi32>
      %convert_element_type3A_640 = arith.sitofp %convert_element_type3A_639 : vector<1024x1024xi32> to vector<1024x1024xf32>
      %convert_element_type3A_641 = arith.truncf %convert_element_type3A_640 : vector<1024x1024xf32> to vector<1024x1024xbf16>
      %get3A_642 = arith.constant 2 : index
      %get3A_643 = arith.constant 0 : index
      %get3A_644 = arith.constant 0 : index
      %get3A_645 = vector.load %arg9[%get3A_642, %get3A_643, %get3A_644] : memref<8x1024x99xbf16, #tpu.memory_space<vmem>>, vector<1x1024x99xbf16>
      %get3A_646 = vector.shape_cast %get3A_645 : vector<1x1024x99xbf16> to vector<1024x99xbf16>
      %dot_general3A_647 = arith.constant dense<0.000000e+00> : vector<1024x99xf32>
      %dot_general3A_648 = tpu.matmul %convert_element_type3A_641, %get3A_646, %dot_general3A_647 {dimension_numbers = #tpu.dot_dimension_numbers<[1], [0], [0], [1], [0, 0, 1, 1], [], []>, transpose_lhs_hint = false} : vector<1024x1024xbf16>, vector<1024x99xbf16>, vector<1024x99xf32> -> vector<1024x99xf32>
      %slice3A_649 = vector.extract_strided_slice %dot_general3A_648 {offsets = [0, 0], sizes = [1024, 32], strides = [1, 1]} : vector<1024x99xf32> to vector<1024x32xf32>
      %slice3A_650 = vector.extract_strided_slice %dot_general3A_648 {offsets = [0, 32], sizes = [1024, 32], strides = [1, 1]} : vector<1024x99xf32> to vector<1024x32xf32>
      %add3A_651 = arith.addf %slice3A_649, %slice3A_650 : vector<1024x32xf32>
      %slice3A_652 = vector.extract_strided_slice %dot_general3A_648 {offsets = [0, 64], sizes = [1024, 32], strides = [1, 1]} : vector<1024x99xf32> to vector<1024x32xf32>
      %add3A_653 = arith.addf %add3A_651, %slice3A_652 : vector<1024x32xf32>
      %swap3A_654 = arith.constant 0 : index
      %swap3A_655 = arith.constant 0 : index
      %swap3A_656 = vector.load %arg10[%swap3A_654, %swap3A_655] : memref<1024x32xf32, #tpu.memory_space<vmem>>, vector<1024x32xf32>
      tpu.vector_store %arg10[%swap3A_654, %swap3A_655], %add3A_653 {strides = array<i32>} : memref<1024x32xf32, #tpu.memory_space<vmem>>, vector<1024x32xf32>,
      %swap3A_657 = arith.constant 0 : index
      %swap3A_658 = arith.constant 0 : index
      %swap3A_659 = vector.load %arg11[%swap3A_657, %swap3A_658] : memref<1024x1xi32, #tpu.memory_space<vmem>>, vector<1024x1xi32>
      tpu.vector_store %arg11[%swap3A_657, %swap3A_658], %broadcast_in_dim3A_636 {strides = array<i32>} : memref<1024x1xi32, #tpu.memory_space<vmem>>, vector<1024x1xi32>,
    } else {
    }
    %get3A_215 = arith.constant 0 : index
    %get3A_216 = arith.constant 0 : index
    %get3A_217 = vector.load %arg10[%get3A_215, %get3A_216] : memref<1024x32xf32, #tpu.memory_space<vmem>>, vector<1024x32xf32>
    %sub3A_218 = arith.subf %sub3A_140, %get3A_217 : vector<1024x32xf32>
    %add3A_219 = arith.addf %add3A_141, %get3A_217 : vector<1024x32xf32>
    %swap3A_220 = arith.constant 2 : index
    %swap3A_221 = arith.constant 0 : index
    %swap3A_222 = arith.constant 0 : index
    %swap3A_223 = vector.load %arg7[%swap3A_220, %swap3A_221, %swap3A_222] : memref<8x1024x32xf32, #tpu.memory_space<vmem>>, vector<1x1024x32xf32>
    %swap3A_224 = vector.shape_cast %swap3A_223 : vector<1x1024x32xf32> to vector<1024x32xf32>
    %swap3A_225 = vector.shape_cast %get3A_217 : vector<1024x32xf32> to vector<1x1024x32xf32>
    tpu.vector_store %arg7[%swap3A_220, %swap3A_221, %swap3A_222], %swap3A_225 {strides = array<i32>} : memref<8x1024x32xf32, #tpu.memory_space<vmem>>, vector<1x1024x32xf32>,
    %get3A_226 = arith.constant 0 : index
    %get3A_227 = arith.constant 0 : index
    %get3A_228 = vector.load %arg11[%get3A_226, %get3A_227] : memref<1024x1xi32, #tpu.memory_space<vmem>>, vector<1024x1xi32>
    %get3A_229 = arith.constant 3 : index
    %get3A_230 = arith.constant 0 : index
    %get3A_231 = arith.constant 0 : index
    %get3A_232 = vector.load %arg3[%get3A_229, %get3A_230, %get3A_231] : memref<8x32x1024xf32, #tpu.memory_space<vmem>>, vector<1x32x1024xf32>
    %get3A_233 = vector.shape_cast %get3A_232 : vector<1x32x1024xf32> to vector<32x1024xf32>
    %get3A_234 = arith.constant 3 : index
    %get3A_235 = arith.constant 0 : index
    %get3A_236 = arith.constant 0 : index
    %get3A_237 = vector.load %arg5[%get3A_234, %get3A_235, %get3A_236] : memref<8x1x1024xf32, #tpu.memory_space<vmem>>, vector<1x1x1024xf32>
    %get3A_238 = vector.shape_cast %get3A_237 : vector<1x1x1024xf32> to vector<1x1024xf32>
    %mul3A_239 = arith.mulf %sub3A_218, %sub3A_218 : vector<1024x32xf32>
    %reduce_sum3A_240 = arith.constant dense<0.000000e+00> : vector<1024xf32>
    %reduce_sum3A_241 = vector.multi_reduction <add>, %mul3A_239, %reduce_sum3A_240 [1] : vector<1024x32xf32> to vector<1024xf32>
    %broadcast_in_dim3A_242 = vector.shape_cast %reduce_sum3A_241 : vector<1024xf32> to vector<1024x1xf32>
    %dot_general3A_243 = arith.constant dense<0.000000e+00> : vector<1024x1024xf32>
    %dot_general3A_244 = tpu.matmul %sub3A_218, %get3A_233, %dot_general3A_243 {dimension_numbers = #tpu.dot_dimension_numbers<[1], [0], [0], [1], [0, 0, 1, 1], [], []>, transpose_lhs_hint = false} : vector<1024x32xf32>, vector<32x1024xf32>, vector<1024x1024xf32> -> vector<1024x1024xf32>
    %mul3A_245 = arith.constant 2.000000e+00 : f32
    %mul3A_246 = vector.broadcast %mul3A_245 : f32 to vector<1024x1024xf32>
    %mul3A_247 = arith.mulf %mul3A_246, %dot_general3A_244 : vector<1024x1024xf32>
    %sub3A_248 = vector.broadcast %broadcast_in_dim3A_242 : vector<1024x1xf32> to vector<1024x1024xf32>
    %sub3A_249 = arith.subf %sub3A_248, %mul3A_247 : vector<1024x1024xf32>
    %add3A_250 = vector.broadcast %get3A_238 : vector<1x1024xf32> to vector<1024x1024xf32>
    %add3A_251 = arith.addf %sub3A_249, %add3A_250 : vector<1024x1024xf32>
    %reduce_min3A_252 = arith.constant dense<0x7F800000> : vector<1024xf32>
    %reduce_min3A_253 = vector.multi_reduction <minimumf>, %add3A_251, %reduce_min3A_252 [1] : vector<1024x1024xf32> to vector<1024xf32>
    %broadcast_in_dim3A_254 = vector.shape_cast %reduce_min3A_253 : vector<1024xf32> to vector<1024x1xf32>
    %eq3A_255 = vector.broadcast %broadcast_in_dim3A_254 : vector<1024x1xf32> to vector<1024x1024xf32>
    %eq3A_256 = arith.cmpf oeq, %add3A_251, %eq3A_255 : vector<1024x1024xf32>
    %convert_element_type3A_257 = arith.extui %eq3A_256 : vector<1024x1024xi1> to vector<1024x1024xi32>
    %convert_element_type3A_258 = arith.sitofp %convert_element_type3A_257 : vector<1024x1024xi32> to vector<1024x1024xf32>
    %convert_element_type3A_259 = arith.truncf %convert_element_type3A_258 : vector<1024x1024xf32> to vector<1024x1024xbf16>
    %get3A_260 = arith.constant 3 : index
    %get3A_261 = arith.constant 0 : index
    %get3A_262 = arith.constant 0 : index
    %get3A_263 = vector.load %arg9[%get3A_260, %get3A_261, %get3A_262] : memref<8x1024x99xbf16, #tpu.memory_space<vmem>>, vector<1x1024x99xbf16>
    %get3A_264 = vector.shape_cast %get3A_263 : vector<1x1024x99xbf16> to vector<1024x99xbf16>
    %dot_general3A_265 = arith.constant dense<0.000000e+00> : vector<1024x99xf32>
    %dot_general3A_266 = tpu.matmul %convert_element_type3A_259, %get3A_264, %dot_general3A_265 {dimension_numbers = #tpu.dot_dimension_numbers<[1], [0], [0], [1], [0, 0, 1, 1], [], []>, transpose_lhs_hint = false} : vector<1024x1024xbf16>, vector<1024x99xbf16>, vector<1024x99xf32> -> vector<1024x99xf32>
    %slice3A_267 = vector.extract_strided_slice %dot_general3A_266 {offsets = [0, 0], sizes = [1024, 32], strides = [1, 1]} : vector<1024x99xf32> to vector<1024x32xf32>
    %slice3A_268 = vector.extract_strided_slice %dot_general3A_266 {offsets = [0, 32], sizes = [1024, 32], strides = [1, 1]} : vector<1024x99xf32> to vector<1024x32xf32>
    %add3A_269 = arith.addf %slice3A_267, %slice3A_268 : vector<1024x32xf32>
    %slice3A_270 = vector.extract_strided_slice %dot_general3A_266 {offsets = [0, 64], sizes = [1024, 32], strides = [1, 1]} : vector<1024x99xf32> to vector<1024x32xf32>
    %add3A_271 = arith.addf %add3A_269, %slice3A_270 : vector<1024x32xf32>
    %slice3A_272 = vector.extract_strided_slice %dot_general3A_266 {offsets = [0, 96], sizes = [1024, 1], strides = [1, 1]} : vector<1024x99xf32> to vector<1024x1xf32>
    %slice3A_273 = vector.extract_strided_slice %dot_general3A_266 {offsets = [0, 97], sizes = [1024, 1], strides = [1, 1]} : vector<1024x99xf32> to vector<1024x1xf32>
    %add3A_274 = arith.addf %slice3A_272, %slice3A_273 : vector<1024x1xf32>
    %slice3A_275 = vector.extract_strided_slice %dot_general3A_266 {offsets = [0, 98], sizes = [1024, 1], strides = [1, 1]} : vector<1024x99xf32> to vector<1024x1xf32>
    %swap3A_276 = arith.constant 0 : index
    %swap3A_277 = arith.constant 0 : index
    %swap3A_278 = vector.load %arg10[%swap3A_276, %swap3A_277] : memref<1024x32xf32, #tpu.memory_space<vmem>>, vector<1024x32xf32>
    tpu.vector_store %arg10[%swap3A_276, %swap3A_277], %add3A_271 {strides = array<i32>} : memref<1024x32xf32, #tpu.memory_space<vmem>>, vector<1024x32xf32>,
    %convert_element_type3A_279 = arith.fptosi %add3A_274 : vector<1024x1xf32> to vector<1024x1xi32>
    %swap3A_280 = arith.constant 0 : index
    %swap3A_281 = arith.constant 0 : index
    %swap3A_282 = vector.load %arg11[%swap3A_280, %swap3A_281] : memref<1024x1xi32, #tpu.memory_space<vmem>>, vector<1024x1xi32>
    tpu.vector_store %arg11[%swap3A_280, %swap3A_281], %convert_element_type3A_279 {strides = array<i32>} : memref<1024x1xi32, #tpu.memory_space<vmem>>, vector<1024x1xi32>,
    %reduce_max3A_283 = vector.shape_cast %slice3A_275 : vector<1024x1xf32> to vector<1x1024x1xf32>
    %reduce_max3A_284 = arith.constant dense<0xFF800000> : vector<1xf32>
    %reduce_max3A_285 = vector.multi_reduction <maximumf>, %reduce_max3A_283, %reduce_max3A_284 [1, 2] : vector<1x1024x1xf32> to vector<1xf32>
    %reduce_max3A_286 = vector.shape_cast %reduce_max3A_285 : vector<1xf32> to vector<1x1x1xf32>
    %reduce_max3A_287 = vector.extract %reduce_max3A_286[0, 0, 0] : f32 from vector<1x1x1xf32>
    %gt3A_288 = arith.constant 1.000000e+00 : f32
    %gt3A_289 = arith.cmpf ogt, %reduce_max3A_287, %gt3A_288 : f32
    %convert_element_type3A_290 = arith.extui %gt3A_289 : i1 to i32
    %cond3A_291 = arith.constant 0 : i32
    %cond3A_292 = arith.cmpi ne, %convert_element_type3A_290, %cond3A_291 : i32
    scf.if %cond3A_292 {
      %iota3A = tpu.iota {dimensions = array<i32: 1>} : vector<1024x1024xi32>
      %eq3A_631 = vector.broadcast %broadcast_in_dim3A_254 : vector<1024x1xf32> to vector<1024x1024xf32>
      %eq3A_632 = arith.cmpf oeq, %add3A_251, %eq3A_631 : vector<1024x1024xf32>
      %jit3A = arith.constant 1024 : i32
      %broadcast_in_dim3A_633 = vector.broadcast %jit3A : i32 to vector<1024x1024xi32>
      %select_n3A = arith.select %eq3A_632, %iota3A, %broadcast_in_dim3A_633 : vector<1024x1024xi1>, vector<1024x1024xi32>
      %reduce_min3A_634 = arith.constant dense<2147483647> : vector<1024xi32>
      %reduce_min3A_635 = vector.multi_reduction <minsi>, %select_n3A, %reduce_min3A_634 [1] : vector<1024x1024xi32> to vector<1024xi32>
      %broadcast_in_dim3A_636 = vector.shape_cast %reduce_min3A_635 : vector<1024xi32> to vector<1024x1xi32>
      %eq3A_637 = vector.broadcast %broadcast_in_dim3A_636 : vector<1024x1xi32> to vector<1024x1024xi32>
      %eq3A_638 = arith.cmpi eq, %iota3A, %eq3A_637 : vector<1024x1024xi32>
      %convert_element_type3A_639 = arith.extui %eq3A_638 : vector<1024x1024xi1> to vector<1024x1024xi32>
      %convert_element_type3A_640 = arith.sitofp %convert_element_type3A_639 : vector<1024x1024xi32> to vector<1024x1024xf32>
      %convert_element_type3A_641 = arith.truncf %convert_element_type3A_640 : vector<1024x1024xf32> to vector<1024x1024xbf16>
      %get3A_642 = arith.constant 3 : index
      %get3A_643 = arith.constant 0 : index
      %get3A_644 = arith.constant 0 : index
      %get3A_645 = vector.load %arg9[%get3A_642, %get3A_643, %get3A_644] : memref<8x1024x99xbf16, #tpu.memory_space<vmem>>, vector<1x1024x99xbf16>
      %get3A_646 = vector.shape_cast %get3A_645 : vector<1x1024x99xbf16> to vector<1024x99xbf16>
      %dot_general3A_647 = arith.constant dense<0.000000e+00> : vector<1024x99xf32>
      %dot_general3A_648 = tpu.matmul %convert_element_type3A_641, %get3A_646, %dot_general3A_647 {dimension_numbers = #tpu.dot_dimension_numbers<[1], [0], [0], [1], [0, 0, 1, 1], [], []>, transpose_lhs_hint = false} : vector<1024x1024xbf16>, vector<1024x99xbf16>, vector<1024x99xf32> -> vector<1024x99xf32>
      %slice3A_649 = vector.extract_strided_slice %dot_general3A_648 {offsets = [0, 0], sizes = [1024, 32], strides = [1, 1]} : vector<1024x99xf32> to vector<1024x32xf32>
      %slice3A_650 = vector.extract_strided_slice %dot_general3A_648 {offsets = [0, 32], sizes = [1024, 32], strides = [1, 1]} : vector<1024x99xf32> to vector<1024x32xf32>
      %add3A_651 = arith.addf %slice3A_649, %slice3A_650 : vector<1024x32xf32>
      %slice3A_652 = vector.extract_strided_slice %dot_general3A_648 {offsets = [0, 64], sizes = [1024, 32], strides = [1, 1]} : vector<1024x99xf32> to vector<1024x32xf32>
      %add3A_653 = arith.addf %add3A_651, %slice3A_652 : vector<1024x32xf32>
      %swap3A_654 = arith.constant 0 : index
      %swap3A_655 = arith.constant 0 : index
      %swap3A_656 = vector.load %arg10[%swap3A_654, %swap3A_655] : memref<1024x32xf32, #tpu.memory_space<vmem>>, vector<1024x32xf32>
      tpu.vector_store %arg10[%swap3A_654, %swap3A_655], %add3A_653 {strides = array<i32>} : memref<1024x32xf32, #tpu.memory_space<vmem>>, vector<1024x32xf32>,
      %swap3A_657 = arith.constant 0 : index
      %swap3A_658 = arith.constant 0 : index
      %swap3A_659 = vector.load %arg11[%swap3A_657, %swap3A_658] : memref<1024x1xi32, #tpu.memory_space<vmem>>, vector<1024x1xi32>
      tpu.vector_store %arg11[%swap3A_657, %swap3A_658], %broadcast_in_dim3A_636 {strides = array<i32>} : memref<1024x1xi32, #tpu.memory_space<vmem>>, vector<1024x1xi32>,
    } else {
    }
    %get3A_293 = arith.constant 0 : index
    %get3A_294 = arith.constant 0 : index
    %get3A_295 = vector.load %arg10[%get3A_293, %get3A_294] : memref<1024x32xf32, #tpu.memory_space<vmem>>, vector<1024x32xf32>
    %sub3A_296 = arith.subf %sub3A_218, %get3A_295 : vector<1024x32xf32>
    %add3A_297 = arith.addf %add3A_219, %get3A_295 : vector<1024x32xf32>
    %swap3A_298 = arith.constant 3 : index
    %swap3A_299 = arith.constant 0 : index
    %swap3A_300 = arith.constant 0 : index
    %swap3A_301 = vector.load %arg7[%swap3A_298, %swap3A_299, %swap3A_300] : memref<8x1024x32xf32, #tpu.memory_space<vmem>>, vector<1x1024x32xf32>
    %swap3A_302 = vector.shape_cast %swap3A_301 : vector<1x1024x32xf32> to vector<1024x32xf32>
    %swap3A_303 = vector.shape_cast %get3A_295 : vector<1024x32xf32> to vector<1x1024x32xf32>
    tpu.vector_store %arg7[%swap3A_298, %swap3A_299, %swap3A_300], %swap3A_303 {strides = array<i32>} : memref<8x1024x32xf32, #tpu.memory_space<vmem>>, vector<1x1024x32xf32>,
    %get3A_304 = arith.constant 0 : index
    %get3A_305 = arith.constant 0 : index
    %get3A_306 = vector.load %arg11[%get3A_304, %get3A_305] : memref<1024x1xi32, #tpu.memory_space<vmem>>, vector<1024x1xi32>
    %get3A_307 = arith.constant 4 : index
    %get3A_308 = arith.constant 0 : index
    %get3A_309 = arith.constant 0 : index
    %get3A_310 = vector.load %arg3[%get3A_307, %get3A_308, %get3A_309] : memref<8x32x1024xf32, #tpu.memory_space<vmem>>, vector<1x32x1024xf32>
    %get3A_311 = vector.shape_cast %get3A_310 : vector<1x32x1024xf32> to vector<32x1024xf32>
    %get3A_312 = arith.constant 4 : index
    %get3A_313 = arith.constant 0 : index
    %get3A_314 = arith.constant 0 : index
    %get3A_315 = vector.load %arg5[%get3A_312, %get3A_313, %get3A_314] : memref<8x1x1024xf32, #tpu.memory_space<vmem>>, vector<1x1x1024xf32>
    %get3A_316 = vector.shape_cast %get3A_315 : vector<1x1x1024xf32> to vector<1x1024xf32>
    %mul3A_317 = arith.mulf %sub3A_296, %sub3A_296 : vector<1024x32xf32>
    %reduce_sum3A_318 = arith.constant dense<0.000000e+00> : vector<1024xf32>
    %reduce_sum3A_319 = vector.multi_reduction <add>, %mul3A_317, %reduce_sum3A_318 [1] : vector<1024x32xf32> to vector<1024xf32>
    %broadcast_in_dim3A_320 = vector.shape_cast %reduce_sum3A_319 : vector<1024xf32> to vector<1024x1xf32>
    %dot_general3A_321 = arith.constant dense<0.000000e+00> : vector<1024x1024xf32>
    %dot_general3A_322 = tpu.matmul %sub3A_296, %get3A_311, %dot_general3A_321 {dimension_numbers = #tpu.dot_dimension_numbers<[1], [0], [0], [1], [0, 0, 1, 1], [], []>, transpose_lhs_hint = false} : vector<1024x32xf32>, vector<32x1024xf32>, vector<1024x1024xf32> -> vector<1024x1024xf32>
    %mul3A_323 = arith.constant 2.000000e+00 : f32
    %mul3A_324 = vector.broadcast %mul3A_323 : f32 to vector<1024x1024xf32>
    %mul3A_325 = arith.mulf %mul3A_324, %dot_general3A_322 : vector<1024x1024xf32>
    %sub3A_326 = vector.broadcast %broadcast_in_dim3A_320 : vector<1024x1xf32> to vector<1024x1024xf32>
    %sub3A_327 = arith.subf %sub3A_326, %mul3A_325 : vector<1024x1024xf32>
    %add3A_328 = vector.broadcast %get3A_316 : vector<1x1024xf32> to vector<1024x1024xf32>
    %add3A_329 = arith.addf %sub3A_327, %add3A_328 : vector<1024x1024xf32>
    %reduce_min3A_330 = arith.constant dense<0x7F800000> : vector<1024xf32>
    %reduce_min3A_331 = vector.multi_reduction <minimumf>, %add3A_329, %reduce_min3A_330 [1] : vector<1024x1024xf32> to vector<1024xf32>
    %broadcast_in_dim3A_332 = vector.shape_cast %reduce_min3A_331 : vector<1024xf32> to vector<1024x1xf32>
    %eq3A_333 = vector.broadcast %broadcast_in_dim3A_332 : vector<1024x1xf32> to vector<1024x1024xf32>
    %eq3A_334 = arith.cmpf oeq, %add3A_329, %eq3A_333 : vector<1024x1024xf32>
    %convert_element_type3A_335 = arith.extui %eq3A_334 : vector<1024x1024xi1> to vector<1024x1024xi32>
    %convert_element_type3A_336 = arith.sitofp %convert_element_type3A_335 : vector<1024x1024xi32> to vector<1024x1024xf32>
    %convert_element_type3A_337 = arith.truncf %convert_element_type3A_336 : vector<1024x1024xf32> to vector<1024x1024xbf16>
    %get3A_338 = arith.constant 4 : index
    %get3A_339 = arith.constant 0 : index
    %get3A_340 = arith.constant 0 : index
    %get3A_341 = vector.load %arg9[%get3A_338, %get3A_339, %get3A_340] : memref<8x1024x99xbf16, #tpu.memory_space<vmem>>, vector<1x1024x99xbf16>
    %get3A_342 = vector.shape_cast %get3A_341 : vector<1x1024x99xbf16> to vector<1024x99xbf16>
    %dot_general3A_343 = arith.constant dense<0.000000e+00> : vector<1024x99xf32>
    %dot_general3A_344 = tpu.matmul %convert_element_type3A_337, %get3A_342, %dot_general3A_343 {dimension_numbers = #tpu.dot_dimension_numbers<[1], [0], [0], [1], [0, 0, 1, 1], [], []>, transpose_lhs_hint = false} : vector<1024x1024xbf16>, vector<1024x99xbf16>, vector<1024x99xf32> -> vector<1024x99xf32>
    %slice3A_345 = vector.extract_strided_slice %dot_general3A_344 {offsets = [0, 0], sizes = [1024, 32], strides = [1, 1]} : vector<1024x99xf32> to vector<1024x32xf32>
    %slice3A_346 = vector.extract_strided_slice %dot_general3A_344 {offsets = [0, 32], sizes = [1024, 32], strides = [1, 1]} : vector<1024x99xf32> to vector<1024x32xf32>
    %add3A_347 = arith.addf %slice3A_345, %slice3A_346 : vector<1024x32xf32>
    %slice3A_348 = vector.extract_strided_slice %dot_general3A_344 {offsets = [0, 64], sizes = [1024, 32], strides = [1, 1]} : vector<1024x99xf32> to vector<1024x32xf32>
    %add3A_349 = arith.addf %add3A_347, %slice3A_348 : vector<1024x32xf32>
    %slice3A_350 = vector.extract_strided_slice %dot_general3A_344 {offsets = [0, 96], sizes = [1024, 1], strides = [1, 1]} : vector<1024x99xf32> to vector<1024x1xf32>
    %slice3A_351 = vector.extract_strided_slice %dot_general3A_344 {offsets = [0, 97], sizes = [1024, 1], strides = [1, 1]} : vector<1024x99xf32> to vector<1024x1xf32>
    %add3A_352 = arith.addf %slice3A_350, %slice3A_351 : vector<1024x1xf32>
    %slice3A_353 = vector.extract_strided_slice %dot_general3A_344 {offsets = [0, 98], sizes = [1024, 1], strides = [1, 1]} : vector<1024x99xf32> to vector<1024x1xf32>
    %swap3A_354 = arith.constant 0 : index
    %swap3A_355 = arith.constant 0 : index
    %swap3A_356 = vector.load %arg10[%swap3A_354, %swap3A_355] : memref<1024x32xf32, #tpu.memory_space<vmem>>, vector<1024x32xf32>
    tpu.vector_store %arg10[%swap3A_354, %swap3A_355], %add3A_349 {strides = array<i32>} : memref<1024x32xf32, #tpu.memory_space<vmem>>, vector<1024x32xf32>,
    %convert_element_type3A_357 = arith.fptosi %add3A_352 : vector<1024x1xf32> to vector<1024x1xi32>
    %swap3A_358 = arith.constant 0 : index
    %swap3A_359 = arith.constant 0 : index
    %swap3A_360 = vector.load %arg11[%swap3A_358, %swap3A_359] : memref<1024x1xi32, #tpu.memory_space<vmem>>, vector<1024x1xi32>
    tpu.vector_store %arg11[%swap3A_358, %swap3A_359], %convert_element_type3A_357 {strides = array<i32>} : memref<1024x1xi32, #tpu.memory_space<vmem>>, vector<1024x1xi32>,
    %reduce_max3A_361 = vector.shape_cast %slice3A_353 : vector<1024x1xf32> to vector<1x1024x1xf32>
    %reduce_max3A_362 = arith.constant dense<0xFF800000> : vector<1xf32>
    %reduce_max3A_363 = vector.multi_reduction <maximumf>, %reduce_max3A_361, %reduce_max3A_362 [1, 2] : vector<1x1024x1xf32> to vector<1xf32>
    %reduce_max3A_364 = vector.shape_cast %reduce_max3A_363 : vector<1xf32> to vector<1x1x1xf32>
    %reduce_max3A_365 = vector.extract %reduce_max3A_364[0, 0, 0] : f32 from vector<1x1x1xf32>
    %gt3A_366 = arith.constant 1.000000e+00 : f32
    %gt3A_367 = arith.cmpf ogt, %reduce_max3A_365, %gt3A_366 : f32
    %convert_element_type3A_368 = arith.extui %gt3A_367 : i1 to i32
    %cond3A_369 = arith.constant 0 : i32
    %cond3A_370 = arith.cmpi ne, %convert_element_type3A_368, %cond3A_369 : i32
    scf.if %cond3A_370 {
      %iota3A = tpu.iota {dimensions = array<i32: 1>} : vector<1024x1024xi32>
      %eq3A_631 = vector.broadcast %broadcast_in_dim3A_332 : vector<1024x1xf32> to vector<1024x1024xf32>
      %eq3A_632 = arith.cmpf oeq, %add3A_329, %eq3A_631 : vector<1024x1024xf32>
      %jit3A = arith.constant 1024 : i32
      %broadcast_in_dim3A_633 = vector.broadcast %jit3A : i32 to vector<1024x1024xi32>
      %select_n3A = arith.select %eq3A_632, %iota3A, %broadcast_in_dim3A_633 : vector<1024x1024xi1>, vector<1024x1024xi32>
      %reduce_min3A_634 = arith.constant dense<2147483647> : vector<1024xi32>
      %reduce_min3A_635 = vector.multi_reduction <minsi>, %select_n3A, %reduce_min3A_634 [1] : vector<1024x1024xi32> to vector<1024xi32>
      %broadcast_in_dim3A_636 = vector.shape_cast %reduce_min3A_635 : vector<1024xi32> to vector<1024x1xi32>
      %eq3A_637 = vector.broadcast %broadcast_in_dim3A_636 : vector<1024x1xi32> to vector<1024x1024xi32>
      %eq3A_638 = arith.cmpi eq, %iota3A, %eq3A_637 : vector<1024x1024xi32>
      %convert_element_type3A_639 = arith.extui %eq3A_638 : vector<1024x1024xi1> to vector<1024x1024xi32>
      %convert_element_type3A_640 = arith.sitofp %convert_element_type3A_639 : vector<1024x1024xi32> to vector<1024x1024xf32>
      %convert_element_type3A_641 = arith.truncf %convert_element_type3A_640 : vector<1024x1024xf32> to vector<1024x1024xbf16>
      %get3A_642 = arith.constant 4 : index
      %get3A_643 = arith.constant 0 : index
      %get3A_644 = arith.constant 0 : index
      %get3A_645 = vector.load %arg9[%get3A_642, %get3A_643, %get3A_644] : memref<8x1024x99xbf16, #tpu.memory_space<vmem>>, vector<1x1024x99xbf16>
      %get3A_646 = vector.shape_cast %get3A_645 : vector<1x1024x99xbf16> to vector<1024x99xbf16>
      %dot_general3A_647 = arith.constant dense<0.000000e+00> : vector<1024x99xf32>
      %dot_general3A_648 = tpu.matmul %convert_element_type3A_641, %get3A_646, %dot_general3A_647 {dimension_numbers = #tpu.dot_dimension_numbers<[1], [0], [0], [1], [0, 0, 1, 1], [], []>, transpose_lhs_hint = false} : vector<1024x1024xbf16>, vector<1024x99xbf16>, vector<1024x99xf32> -> vector<1024x99xf32>
      %slice3A_649 = vector.extract_strided_slice %dot_general3A_648 {offsets = [0, 0], sizes = [1024, 32], strides = [1, 1]} : vector<1024x99xf32> to vector<1024x32xf32>
      %slice3A_650 = vector.extract_strided_slice %dot_general3A_648 {offsets = [0, 32], sizes = [1024, 32], strides = [1, 1]} : vector<1024x99xf32> to vector<1024x32xf32>
      %add3A_651 = arith.addf %slice3A_649, %slice3A_650 : vector<1024x32xf32>
      %slice3A_652 = vector.extract_strided_slice %dot_general3A_648 {offsets = [0, 64], sizes = [1024, 32], strides = [1, 1]} : vector<1024x99xf32> to vector<1024x32xf32>
      %add3A_653 = arith.addf %add3A_651, %slice3A_652 : vector<1024x32xf32>
      %swap3A_654 = arith.constant 0 : index
      %swap3A_655 = arith.constant 0 : index
      %swap3A_656 = vector.load %arg10[%swap3A_654, %swap3A_655] : memref<1024x32xf32, #tpu.memory_space<vmem>>, vector<1024x32xf32>
      tpu.vector_store %arg10[%swap3A_654, %swap3A_655], %add3A_653 {strides = array<i32>} : memref<1024x32xf32, #tpu.memory_space<vmem>>, vector<1024x32xf32>,
      %swap3A_657 = arith.constant 0 : index
      %swap3A_658 = arith.constant 0 : index
      %swap3A_659 = vector.load %arg11[%swap3A_657, %swap3A_658] : memref<1024x1xi32, #tpu.memory_space<vmem>>, vector<1024x1xi32>
      tpu.vector_store %arg11[%swap3A_657, %swap3A_658], %broadcast_in_dim3A_636 {strides = array<i32>} : memref<1024x1xi32, #tpu.memory_space<vmem>>, vector<1024x1xi32>,
    } else {
    }
    %get3A_371 = arith.constant 0 : index
    %get3A_372 = arith.constant 0 : index
    %get3A_373 = vector.load %arg10[%get3A_371, %get3A_372] : memref<1024x32xf32, #tpu.memory_space<vmem>>, vector<1024x32xf32>
    %sub3A_374 = arith.subf %sub3A_296, %get3A_373 : vector<1024x32xf32>
    %add3A_375 = arith.addf %add3A_297, %get3A_373 : vector<1024x32xf32>
    %swap3A_376 = arith.constant 4 : index
    %swap3A_377 = arith.constant 0 : index
    %swap3A_378 = arith.constant 0 : index
    %swap3A_379 = vector.load %arg7[%swap3A_376, %swap3A_377, %swap3A_378] : memref<8x1024x32xf32, #tpu.memory_space<vmem>>, vector<1x1024x32xf32>
    %swap3A_380 = vector.shape_cast %swap3A_379 : vector<1x1024x32xf32> to vector<1024x32xf32>
    %swap3A_381 = vector.shape_cast %get3A_373 : vector<1024x32xf32> to vector<1x1024x32xf32>
    tpu.vector_store %arg7[%swap3A_376, %swap3A_377, %swap3A_378], %swap3A_381 {strides = array<i32>} : memref<8x1024x32xf32, #tpu.memory_space<vmem>>, vector<1x1024x32xf32>,
    %get3A_382 = arith.constant 0 : index
    %get3A_383 = arith.constant 0 : index
    %get3A_384 = vector.load %arg11[%get3A_382, %get3A_383] : memref<1024x1xi32, #tpu.memory_space<vmem>>, vector<1024x1xi32>
    %get3A_385 = arith.constant 5 : index
    %get3A_386 = arith.constant 0 : index
    %get3A_387 = arith.constant 0 : index
    %get3A_388 = vector.load %arg3[%get3A_385, %get3A_386, %get3A_387] : memref<8x32x1024xf32, #tpu.memory_space<vmem>>, vector<1x32x1024xf32>
    %get3A_389 = vector.shape_cast %get3A_388 : vector<1x32x1024xf32> to vector<32x1024xf32>
    %get3A_390 = arith.constant 5 : index
    %get3A_391 = arith.constant 0 : index
    %get3A_392 = arith.constant 0 : index
    %get3A_393 = vector.load %arg5[%get3A_390, %get3A_391, %get3A_392] : memref<8x1x1024xf32, #tpu.memory_space<vmem>>, vector<1x1x1024xf32>
    %get3A_394 = vector.shape_cast %get3A_393 : vector<1x1x1024xf32> to vector<1x1024xf32>
    %mul3A_395 = arith.mulf %sub3A_374, %sub3A_374 : vector<1024x32xf32>
    %reduce_sum3A_396 = arith.constant dense<0.000000e+00> : vector<1024xf32>
    %reduce_sum3A_397 = vector.multi_reduction <add>, %mul3A_395, %reduce_sum3A_396 [1] : vector<1024x32xf32> to vector<1024xf32>
    %broadcast_in_dim3A_398 = vector.shape_cast %reduce_sum3A_397 : vector<1024xf32> to vector<1024x1xf32>
    %dot_general3A_399 = arith.constant dense<0.000000e+00> : vector<1024x1024xf32>
    %dot_general3A_400 = tpu.matmul %sub3A_374, %get3A_389, %dot_general3A_399 {dimension_numbers = #tpu.dot_dimension_numbers<[1], [0], [0], [1], [0, 0, 1, 1], [], []>, transpose_lhs_hint = false} : vector<1024x32xf32>, vector<32x1024xf32>, vector<1024x1024xf32> -> vector<1024x1024xf32>
    %mul3A_401 = arith.constant 2.000000e+00 : f32
    %mul3A_402 = vector.broadcast %mul3A_401 : f32 to vector<1024x1024xf32>
    %mul3A_403 = arith.mulf %mul3A_402, %dot_general3A_400 : vector<1024x1024xf32>
    %sub3A_404 = vector.broadcast %broadcast_in_dim3A_398 : vector<1024x1xf32> to vector<1024x1024xf32>
    %sub3A_405 = arith.subf %sub3A_404, %mul3A_403 : vector<1024x1024xf32>
    %add3A_406 = vector.broadcast %get3A_394 : vector<1x1024xf32> to vector<1024x1024xf32>
    %add3A_407 = arith.addf %sub3A_405, %add3A_406 : vector<1024x1024xf32>
    %reduce_min3A_408 = arith.constant dense<0x7F800000> : vector<1024xf32>
    %reduce_min3A_409 = vector.multi_reduction <minimumf>, %add3A_407, %reduce_min3A_408 [1] : vector<1024x1024xf32> to vector<1024xf32>
    %broadcast_in_dim3A_410 = vector.shape_cast %reduce_min3A_409 : vector<1024xf32> to vector<1024x1xf32>
    %eq3A_411 = vector.broadcast %broadcast_in_dim3A_410 : vector<1024x1xf32> to vector<1024x1024xf32>
    %eq3A_412 = arith.cmpf oeq, %add3A_407, %eq3A_411 : vector<1024x1024xf32>
    %convert_element_type3A_413 = arith.extui %eq3A_412 : vector<1024x1024xi1> to vector<1024x1024xi32>
    %convert_element_type3A_414 = arith.sitofp %convert_element_type3A_413 : vector<1024x1024xi32> to vector<1024x1024xf32>
    %convert_element_type3A_415 = arith.truncf %convert_element_type3A_414 : vector<1024x1024xf32> to vector<1024x1024xbf16>
    %get3A_416 = arith.constant 5 : index
    %get3A_417 = arith.constant 0 : index
    %get3A_418 = arith.constant 0 : index
    %get3A_419 = vector.load %arg9[%get3A_416, %get3A_417, %get3A_418] : memref<8x1024x99xbf16, #tpu.memory_space<vmem>>, vector<1x1024x99xbf16>
    %get3A_420 = vector.shape_cast %get3A_419 : vector<1x1024x99xbf16> to vector<1024x99xbf16>
    %dot_general3A_421 = arith.constant dense<0.000000e+00> : vector<1024x99xf32>
    %dot_general3A_422 = tpu.matmul %convert_element_type3A_415, %get3A_420, %dot_general3A_421 {dimension_numbers = #tpu.dot_dimension_numbers<[1], [0], [0], [1], [0, 0, 1, 1], [], []>, transpose_lhs_hint = false} : vector<1024x1024xbf16>, vector<1024x99xbf16>, vector<1024x99xf32> -> vector<1024x99xf32>
    %slice3A_423 = vector.extract_strided_slice %dot_general3A_422 {offsets = [0, 0], sizes = [1024, 32], strides = [1, 1]} : vector<1024x99xf32> to vector<1024x32xf32>
    %slice3A_424 = vector.extract_strided_slice %dot_general3A_422 {offsets = [0, 32], sizes = [1024, 32], strides = [1, 1]} : vector<1024x99xf32> to vector<1024x32xf32>
    %add3A_425 = arith.addf %slice3A_423, %slice3A_424 : vector<1024x32xf32>
    %slice3A_426 = vector.extract_strided_slice %dot_general3A_422 {offsets = [0, 64], sizes = [1024, 32], strides = [1, 1]} : vector<1024x99xf32> to vector<1024x32xf32>
    %add3A_427 = arith.addf %add3A_425, %slice3A_426 : vector<1024x32xf32>
    %slice3A_428 = vector.extract_strided_slice %dot_general3A_422 {offsets = [0, 96], sizes = [1024, 1], strides = [1, 1]} : vector<1024x99xf32> to vector<1024x1xf32>
    %slice3A_429 = vector.extract_strided_slice %dot_general3A_422 {offsets = [0, 97], sizes = [1024, 1], strides = [1, 1]} : vector<1024x99xf32> to vector<1024x1xf32>
    %add3A_430 = arith.addf %slice3A_428, %slice3A_429 : vector<1024x1xf32>
    %slice3A_431 = vector.extract_strided_slice %dot_general3A_422 {offsets = [0, 98], sizes = [1024, 1], strides = [1, 1]} : vector<1024x99xf32> to vector<1024x1xf32>
    %swap3A_432 = arith.constant 0 : index
    %swap3A_433 = arith.constant 0 : index
    %swap3A_434 = vector.load %arg10[%swap3A_432, %swap3A_433] : memref<1024x32xf32, #tpu.memory_space<vmem>>, vector<1024x32xf32>
    tpu.vector_store %arg10[%swap3A_432, %swap3A_433], %add3A_427 {strides = array<i32>} : memref<1024x32xf32, #tpu.memory_space<vmem>>, vector<1024x32xf32>,
    %convert_element_type3A_435 = arith.fptosi %add3A_430 : vector<1024x1xf32> to vector<1024x1xi32>
    %swap3A_436 = arith.constant 0 : index
    %swap3A_437 = arith.constant 0 : index
    %swap3A_438 = vector.load %arg11[%swap3A_436, %swap3A_437] : memref<1024x1xi32, #tpu.memory_space<vmem>>, vector<1024x1xi32>
    tpu.vector_store %arg11[%swap3A_436, %swap3A_437], %convert_element_type3A_435 {strides = array<i32>} : memref<1024x1xi32, #tpu.memory_space<vmem>>, vector<1024x1xi32>,
    %reduce_max3A_439 = vector.shape_cast %slice3A_431 : vector<1024x1xf32> to vector<1x1024x1xf32>
    %reduce_max3A_440 = arith.constant dense<0xFF800000> : vector<1xf32>
    %reduce_max3A_441 = vector.multi_reduction <maximumf>, %reduce_max3A_439, %reduce_max3A_440 [1, 2] : vector<1x1024x1xf32> to vector<1xf32>
    %reduce_max3A_442 = vector.shape_cast %reduce_max3A_441 : vector<1xf32> to vector<1x1x1xf32>
    %reduce_max3A_443 = vector.extract %reduce_max3A_442[0, 0, 0] : f32 from vector<1x1x1xf32>
    %gt3A_444 = arith.constant 1.000000e+00 : f32
    %gt3A_445 = arith.cmpf ogt, %reduce_max3A_443, %gt3A_444 : f32
    %convert_element_type3A_446 = arith.extui %gt3A_445 : i1 to i32
    %cond3A_447 = arith.constant 0 : i32
    %cond3A_448 = arith.cmpi ne, %convert_element_type3A_446, %cond3A_447 : i32
    scf.if %cond3A_448 {
      %iota3A = tpu.iota {dimensions = array<i32: 1>} : vector<1024x1024xi32>
      %eq3A_631 = vector.broadcast %broadcast_in_dim3A_410 : vector<1024x1xf32> to vector<1024x1024xf32>
      %eq3A_632 = arith.cmpf oeq, %add3A_407, %eq3A_631 : vector<1024x1024xf32>
      %jit3A = arith.constant 1024 : i32
      %broadcast_in_dim3A_633 = vector.broadcast %jit3A : i32 to vector<1024x1024xi32>
      %select_n3A = arith.select %eq3A_632, %iota3A, %broadcast_in_dim3A_633 : vector<1024x1024xi1>, vector<1024x1024xi32>
      %reduce_min3A_634 = arith.constant dense<2147483647> : vector<1024xi32>
      %reduce_min3A_635 = vector.multi_reduction <minsi>, %select_n3A, %reduce_min3A_634 [1] : vector<1024x1024xi32> to vector<1024xi32>
      %broadcast_in_dim3A_636 = vector.shape_cast %reduce_min3A_635 : vector<1024xi32> to vector<1024x1xi32>
      %eq3A_637 = vector.broadcast %broadcast_in_dim3A_636 : vector<1024x1xi32> to vector<1024x1024xi32>
      %eq3A_638 = arith.cmpi eq, %iota3A, %eq3A_637 : vector<1024x1024xi32>
      %convert_element_type3A_639 = arith.extui %eq3A_638 : vector<1024x1024xi1> to vector<1024x1024xi32>
      %convert_element_type3A_640 = arith.sitofp %convert_element_type3A_639 : vector<1024x1024xi32> to vector<1024x1024xf32>
      %convert_element_type3A_641 = arith.truncf %convert_element_type3A_640 : vector<1024x1024xf32> to vector<1024x1024xbf16>
      %get3A_642 = arith.constant 5 : index
      %get3A_643 = arith.constant 0 : index
      %get3A_644 = arith.constant 0 : index
      %get3A_645 = vector.load %arg9[%get3A_642, %get3A_643, %get3A_644] : memref<8x1024x99xbf16, #tpu.memory_space<vmem>>, vector<1x1024x99xbf16>
      %get3A_646 = vector.shape_cast %get3A_645 : vector<1x1024x99xbf16> to vector<1024x99xbf16>
      %dot_general3A_647 = arith.constant dense<0.000000e+00> : vector<1024x99xf32>
      %dot_general3A_648 = tpu.matmul %convert_element_type3A_641, %get3A_646, %dot_general3A_647 {dimension_numbers = #tpu.dot_dimension_numbers<[1], [0], [0], [1], [0, 0, 1, 1], [], []>, transpose_lhs_hint = false} : vector<1024x1024xbf16>, vector<1024x99xbf16>, vector<1024x99xf32> -> vector<1024x99xf32>
      %slice3A_649 = vector.extract_strided_slice %dot_general3A_648 {offsets = [0, 0], sizes = [1024, 32], strides = [1, 1]} : vector<1024x99xf32> to vector<1024x32xf32>
      %slice3A_650 = vector.extract_strided_slice %dot_general3A_648 {offsets = [0, 32], sizes = [1024, 32], strides = [1, 1]} : vector<1024x99xf32> to vector<1024x32xf32>
      %add3A_651 = arith.addf %slice3A_649, %slice3A_650 : vector<1024x32xf32>
      %slice3A_652 = vector.extract_strided_slice %dot_general3A_648 {offsets = [0, 64], sizes = [1024, 32], strides = [1, 1]} : vector<1024x99xf32> to vector<1024x32xf32>
      %add3A_653 = arith.addf %add3A_651, %slice3A_652 : vector<1024x32xf32>
      %swap3A_654 = arith.constant 0 : index
      %swap3A_655 = arith.constant 0 : index
      %swap3A_656 = vector.load %arg10[%swap3A_654, %swap3A_655] : memref<1024x32xf32, #tpu.memory_space<vmem>>, vector<1024x32xf32>
      tpu.vector_store %arg10[%swap3A_654, %swap3A_655], %add3A_653 {strides = array<i32>} : memref<1024x32xf32, #tpu.memory_space<vmem>>, vector<1024x32xf32>,
      %swap3A_657 = arith.constant 0 : index
      %swap3A_658 = arith.constant 0 : index
      %swap3A_659 = vector.load %arg11[%swap3A_657, %swap3A_658] : memref<1024x1xi32, #tpu.memory_space<vmem>>, vector<1024x1xi32>
      tpu.vector_store %arg11[%swap3A_657, %swap3A_658], %broadcast_in_dim3A_636 {strides = array<i32>} : memref<1024x1xi32, #tpu.memory_space<vmem>>, vector<1024x1xi32>,
    } else {
    }
    %get3A_449 = arith.constant 0 : index
    %get3A_450 = arith.constant 0 : index
    %get3A_451 = vector.load %arg10[%get3A_449, %get3A_450] : memref<1024x32xf32, #tpu.memory_space<vmem>>, vector<1024x32xf32>
    %sub3A_452 = arith.subf %sub3A_374, %get3A_451 : vector<1024x32xf32>
    %add3A_453 = arith.addf %add3A_375, %get3A_451 : vector<1024x32xf32>
    %swap3A_454 = arith.constant 5 : index
    %swap3A_455 = arith.constant 0 : index
    %swap3A_456 = arith.constant 0 : index
    %swap3A_457 = vector.load %arg7[%swap3A_454, %swap3A_455, %swap3A_456] : memref<8x1024x32xf32, #tpu.memory_space<vmem>>, vector<1x1024x32xf32>
    %swap3A_458 = vector.shape_cast %swap3A_457 : vector<1x1024x32xf32> to vector<1024x32xf32>
    %swap3A_459 = vector.shape_cast %get3A_451 : vector<1024x32xf32> to vector<1x1024x32xf32>
    tpu.vector_store %arg7[%swap3A_454, %swap3A_455, %swap3A_456], %swap3A_459 {strides = array<i32>} : memref<8x1024x32xf32, #tpu.memory_space<vmem>>, vector<1x1024x32xf32>,
    %get3A_460 = arith.constant 0 : index
    %get3A_461 = arith.constant 0 : index
    %get3A_462 = vector.load %arg11[%get3A_460, %get3A_461] : memref<1024x1xi32, #tpu.memory_space<vmem>>, vector<1024x1xi32>
    %get3A_463 = arith.constant 6 : index
    %get3A_464 = arith.constant 0 : index
    %get3A_465 = arith.constant 0 : index
    %get3A_466 = vector.load %arg3[%get3A_463, %get3A_464, %get3A_465] : memref<8x32x1024xf32, #tpu.memory_space<vmem>>, vector<1x32x1024xf32>
    %get3A_467 = vector.shape_cast %get3A_466 : vector<1x32x1024xf32> to vector<32x1024xf32>
    %get3A_468 = arith.constant 6 : index
    %get3A_469 = arith.constant 0 : index
    %get3A_470 = arith.constant 0 : index
    %get3A_471 = vector.load %arg5[%get3A_468, %get3A_469, %get3A_470] : memref<8x1x1024xf32, #tpu.memory_space<vmem>>, vector<1x1x1024xf32>
    %get3A_472 = vector.shape_cast %get3A_471 : vector<1x1x1024xf32> to vector<1x1024xf32>
    %mul3A_473 = arith.mulf %sub3A_452, %sub3A_452 : vector<1024x32xf32>
    %reduce_sum3A_474 = arith.constant dense<0.000000e+00> : vector<1024xf32>
    %reduce_sum3A_475 = vector.multi_reduction <add>, %mul3A_473, %reduce_sum3A_474 [1] : vector<1024x32xf32> to vector<1024xf32>
    %broadcast_in_dim3A_476 = vector.shape_cast %reduce_sum3A_475 : vector<1024xf32> to vector<1024x1xf32>
    %dot_general3A_477 = arith.constant dense<0.000000e+00> : vector<1024x1024xf32>
    %dot_general3A_478 = tpu.matmul %sub3A_452, %get3A_467, %dot_general3A_477 {dimension_numbers = #tpu.dot_dimension_numbers<[1], [0], [0], [1], [0, 0, 1, 1], [], []>, transpose_lhs_hint = false} : vector<1024x32xf32>, vector<32x1024xf32>, vector<1024x1024xf32> -> vector<1024x1024xf32>
    %mul3A_479 = arith.constant 2.000000e+00 : f32
    %mul3A_480 = vector.broadcast %mul3A_479 : f32 to vector<1024x1024xf32>
    %mul3A_481 = arith.mulf %mul3A_480, %dot_general3A_478 : vector<1024x1024xf32>
    %sub3A_482 = vector.broadcast %broadcast_in_dim3A_476 : vector<1024x1xf32> to vector<1024x1024xf32>
    %sub3A_483 = arith.subf %sub3A_482, %mul3A_481 : vector<1024x1024xf32>
    %add3A_484 = vector.broadcast %get3A_472 : vector<1x1024xf32> to vector<1024x1024xf32>
    %add3A_485 = arith.addf %sub3A_483, %add3A_484 : vector<1024x1024xf32>
    %reduce_min3A_486 = arith.constant dense<0x7F800000> : vector<1024xf32>
    %reduce_min3A_487 = vector.multi_reduction <minimumf>, %add3A_485, %reduce_min3A_486 [1] : vector<1024x1024xf32> to vector<1024xf32>
    %broadcast_in_dim3A_488 = vector.shape_cast %reduce_min3A_487 : vector<1024xf32> to vector<1024x1xf32>
    %eq3A_489 = vector.broadcast %broadcast_in_dim3A_488 : vector<1024x1xf32> to vector<1024x1024xf32>
    %eq3A_490 = arith.cmpf oeq, %add3A_485, %eq3A_489 : vector<1024x1024xf32>
    %convert_element_type3A_491 = arith.extui %eq3A_490 : vector<1024x1024xi1> to vector<1024x1024xi32>
    %convert_element_type3A_492 = arith.sitofp %convert_element_type3A_491 : vector<1024x1024xi32> to vector<1024x1024xf32>
    %convert_element_type3A_493 = arith.truncf %convert_element_type3A_492 : vector<1024x1024xf32> to vector<1024x1024xbf16>
    %get3A_494 = arith.constant 6 : index
    %get3A_495 = arith.constant 0 : index
    %get3A_496 = arith.constant 0 : index
    %get3A_497 = vector.load %arg9[%get3A_494, %get3A_495, %get3A_496] : memref<8x1024x99xbf16, #tpu.memory_space<vmem>>, vector<1x1024x99xbf16>
    %get3A_498 = vector.shape_cast %get3A_497 : vector<1x1024x99xbf16> to vector<1024x99xbf16>
    %dot_general3A_499 = arith.constant dense<0.000000e+00> : vector<1024x99xf32>
    %dot_general3A_500 = tpu.matmul %convert_element_type3A_493, %get3A_498, %dot_general3A_499 {dimension_numbers = #tpu.dot_dimension_numbers<[1], [0], [0], [1], [0, 0, 1, 1], [], []>, transpose_lhs_hint = false} : vector<1024x1024xbf16>, vector<1024x99xbf16>, vector<1024x99xf32> -> vector<1024x99xf32>
    %slice3A_501 = vector.extract_strided_slice %dot_general3A_500 {offsets = [0, 0], sizes = [1024, 32], strides = [1, 1]} : vector<1024x99xf32> to vector<1024x32xf32>
    %slice3A_502 = vector.extract_strided_slice %dot_general3A_500 {offsets = [0, 32], sizes = [1024, 32], strides = [1, 1]} : vector<1024x99xf32> to vector<1024x32xf32>
    %add3A_503 = arith.addf %slice3A_501, %slice3A_502 : vector<1024x32xf32>
    %slice3A_504 = vector.extract_strided_slice %dot_general3A_500 {offsets = [0, 64], sizes = [1024, 32], strides = [1, 1]} : vector<1024x99xf32> to vector<1024x32xf32>
    %add3A_505 = arith.addf %add3A_503, %slice3A_504 : vector<1024x32xf32>
    %slice3A_506 = vector.extract_strided_slice %dot_general3A_500 {offsets = [0, 96], sizes = [1024, 1], strides = [1, 1]} : vector<1024x99xf32> to vector<1024x1xf32>
    %slice3A_507 = vector.extract_strided_slice %dot_general3A_500 {offsets = [0, 97], sizes = [1024, 1], strides = [1, 1]} : vector<1024x99xf32> to vector<1024x1xf32>
    %add3A_508 = arith.addf %slice3A_506, %slice3A_507 : vector<1024x1xf32>
    %slice3A_509 = vector.extract_strided_slice %dot_general3A_500 {offsets = [0, 98], sizes = [1024, 1], strides = [1, 1]} : vector<1024x99xf32> to vector<1024x1xf32>
    %swap3A_510 = arith.constant 0 : index
    %swap3A_511 = arith.constant 0 : index
    %swap3A_512 = vector.load %arg10[%swap3A_510, %swap3A_511] : memref<1024x32xf32, #tpu.memory_space<vmem>>, vector<1024x32xf32>
    tpu.vector_store %arg10[%swap3A_510, %swap3A_511], %add3A_505 {strides = array<i32>} : memref<1024x32xf32, #tpu.memory_space<vmem>>, vector<1024x32xf32>,
    %convert_element_type3A_513 = arith.fptosi %add3A_508 : vector<1024x1xf32> to vector<1024x1xi32>
    %swap3A_514 = arith.constant 0 : index
    %swap3A_515 = arith.constant 0 : index
    %swap3A_516 = vector.load %arg11[%swap3A_514, %swap3A_515] : memref<1024x1xi32, #tpu.memory_space<vmem>>, vector<1024x1xi32>
    tpu.vector_store %arg11[%swap3A_514, %swap3A_515], %convert_element_type3A_513 {strides = array<i32>} : memref<1024x1xi32, #tpu.memory_space<vmem>>, vector<1024x1xi32>,
    %reduce_max3A_517 = vector.shape_cast %slice3A_509 : vector<1024x1xf32> to vector<1x1024x1xf32>
    %reduce_max3A_518 = arith.constant dense<0xFF800000> : vector<1xf32>
    %reduce_max3A_519 = vector.multi_reduction <maximumf>, %reduce_max3A_517, %reduce_max3A_518 [1, 2] : vector<1x1024x1xf32> to vector<1xf32>
    %reduce_max3A_520 = vector.shape_cast %reduce_max3A_519 : vector<1xf32> to vector<1x1x1xf32>
    %reduce_max3A_521 = vector.extract %reduce_max3A_520[0, 0, 0] : f32 from vector<1x1x1xf32>
    %gt3A_522 = arith.constant 1.000000e+00 : f32
    %gt3A_523 = arith.cmpf ogt, %reduce_max3A_521, %gt3A_522 : f32
    %convert_element_type3A_524 = arith.extui %gt3A_523 : i1 to i32
    %cond3A_525 = arith.constant 0 : i32
    %cond3A_526 = arith.cmpi ne, %convert_element_type3A_524, %cond3A_525 : i32
    scf.if %cond3A_526 {
      %iota3A = tpu.iota {dimensions = array<i32: 1>} : vector<1024x1024xi32>
      %eq3A_631 = vector.broadcast %broadcast_in_dim3A_488 : vector<1024x1xf32> to vector<1024x1024xf32>
      %eq3A_632 = arith.cmpf oeq, %add3A_485, %eq3A_631 : vector<1024x1024xf32>
      %jit3A = arith.constant 1024 : i32
      %broadcast_in_dim3A_633 = vector.broadcast %jit3A : i32 to vector<1024x1024xi32>
      %select_n3A = arith.select %eq3A_632, %iota3A, %broadcast_in_dim3A_633 : vector<1024x1024xi1>, vector<1024x1024xi32>
      %reduce_min3A_634 = arith.constant dense<2147483647> : vector<1024xi32>
      %reduce_min3A_635 = vector.multi_reduction <minsi>, %select_n3A, %reduce_min3A_634 [1] : vector<1024x1024xi32> to vector<1024xi32>
      %broadcast_in_dim3A_636 = vector.shape_cast %reduce_min3A_635 : vector<1024xi32> to vector<1024x1xi32>
      %eq3A_637 = vector.broadcast %broadcast_in_dim3A_636 : vector<1024x1xi32> to vector<1024x1024xi32>
      %eq3A_638 = arith.cmpi eq, %iota3A, %eq3A_637 : vector<1024x1024xi32>
      %convert_element_type3A_639 = arith.extui %eq3A_638 : vector<1024x1024xi1> to vector<1024x1024xi32>
      %convert_element_type3A_640 = arith.sitofp %convert_element_type3A_639 : vector<1024x1024xi32> to vector<1024x1024xf32>
      %convert_element_type3A_641 = arith.truncf %convert_element_type3A_640 : vector<1024x1024xf32> to vector<1024x1024xbf16>
      %get3A_642 = arith.constant 6 : index
      %get3A_643 = arith.constant 0 : index
      %get3A_644 = arith.constant 0 : index
      %get3A_645 = vector.load %arg9[%get3A_642, %get3A_643, %get3A_644] : memref<8x1024x99xbf16, #tpu.memory_space<vmem>>, vector<1x1024x99xbf16>
      %get3A_646 = vector.shape_cast %get3A_645 : vector<1x1024x99xbf16> to vector<1024x99xbf16>
      %dot_general3A_647 = arith.constant dense<0.000000e+00> : vector<1024x99xf32>
      %dot_general3A_648 = tpu.matmul %convert_element_type3A_641, %get3A_646, %dot_general3A_647 {dimension_numbers = #tpu.dot_dimension_numbers<[1], [0], [0], [1], [0, 0, 1, 1], [], []>, transpose_lhs_hint = false} : vector<1024x1024xbf16>, vector<1024x99xbf16>, vector<1024x99xf32> -> vector<1024x99xf32>
      %slice3A_649 = vector.extract_strided_slice %dot_general3A_648 {offsets = [0, 0], sizes = [1024, 32], strides = [1, 1]} : vector<1024x99xf32> to vector<1024x32xf32>
      %slice3A_650 = vector.extract_strided_slice %dot_general3A_648 {offsets = [0, 32], sizes = [1024, 32], strides = [1, 1]} : vector<1024x99xf32> to vector<1024x32xf32>
      %add3A_651 = arith.addf %slice3A_649, %slice3A_650 : vector<1024x32xf32>
      %slice3A_652 = vector.extract_strided_slice %dot_general3A_648 {offsets = [0, 64], sizes = [1024, 32], strides = [1, 1]} : vector<1024x99xf32> to vector<1024x32xf32>
      %add3A_653 = arith.addf %add3A_651, %slice3A_652 : vector<1024x32xf32>
      %swap3A_654 = arith.constant 0 : index
      %swap3A_655 = arith.constant 0 : index
      %swap3A_656 = vector.load %arg10[%swap3A_654, %swap3A_655] : memref<1024x32xf32, #tpu.memory_space<vmem>>, vector<1024x32xf32>
      tpu.vector_store %arg10[%swap3A_654, %swap3A_655], %add3A_653 {strides = array<i32>} : memref<1024x32xf32, #tpu.memory_space<vmem>>, vector<1024x32xf32>,
      %swap3A_657 = arith.constant 0 : index
      %swap3A_658 = arith.constant 0 : index
      %swap3A_659 = vector.load %arg11[%swap3A_657, %swap3A_658] : memref<1024x1xi32, #tpu.memory_space<vmem>>, vector<1024x1xi32>
      tpu.vector_store %arg11[%swap3A_657, %swap3A_658], %broadcast_in_dim3A_636 {strides = array<i32>} : memref<1024x1xi32, #tpu.memory_space<vmem>>, vector<1024x1xi32>,
    } else {
    }
    %get3A_527 = arith.constant 0 : index
    %get3A_528 = arith.constant 0 : index
    %get3A_529 = vector.load %arg10[%get3A_527, %get3A_528] : memref<1024x32xf32, #tpu.memory_space<vmem>>, vector<1024x32xf32>
    %sub3A_530 = arith.subf %sub3A_452, %get3A_529 : vector<1024x32xf32>
    %add3A_531 = arith.addf %add3A_453, %get3A_529 : vector<1024x32xf32>
    %swap3A_532 = arith.constant 6 : index
    %swap3A_533 = arith.constant 0 : index
    %swap3A_534 = arith.constant 0 : index
    %swap3A_535 = vector.load %arg7[%swap3A_532, %swap3A_533, %swap3A_534] : memref<8x1024x32xf32, #tpu.memory_space<vmem>>, vector<1x1024x32xf32>
    %swap3A_536 = vector.shape_cast %swap3A_535 : vector<1x1024x32xf32> to vector<1024x32xf32>
    %swap3A_537 = vector.shape_cast %get3A_529 : vector<1024x32xf32> to vector<1x1024x32xf32>
    tpu.vector_store %arg7[%swap3A_532, %swap3A_533, %swap3A_534], %swap3A_537 {strides = array<i32>} : memref<8x1024x32xf32, #tpu.memory_space<vmem>>, vector<1x1024x32xf32>,
    %get3A_538 = arith.constant 0 : index
    %get3A_539 = arith.constant 0 : index
    %get3A_540 = vector.load %arg11[%get3A_538, %get3A_539] : memref<1024x1xi32, #tpu.memory_space<vmem>>, vector<1024x1xi32>
    %get3A_541 = arith.constant 7 : index
    %get3A_542 = arith.constant 0 : index
    %get3A_543 = arith.constant 0 : index
    %get3A_544 = vector.load %arg3[%get3A_541, %get3A_542, %get3A_543] : memref<8x32x1024xf32, #tpu.memory_space<vmem>>, vector<1x32x1024xf32>
    %get3A_545 = vector.shape_cast %get3A_544 : vector<1x32x1024xf32> to vector<32x1024xf32>
    %get3A_546 = arith.constant 7 : index
    %get3A_547 = arith.constant 0 : index
    %get3A_548 = arith.constant 0 : index
    %get3A_549 = vector.load %arg5[%get3A_546, %get3A_547, %get3A_548] : memref<8x1x1024xf32, #tpu.memory_space<vmem>>, vector<1x1x1024xf32>
    %get3A_550 = vector.shape_cast %get3A_549 : vector<1x1x1024xf32> to vector<1x1024xf32>
    %mul3A_551 = arith.mulf %sub3A_530, %sub3A_530 : vector<1024x32xf32>
    %reduce_sum3A_552 = arith.constant dense<0.000000e+00> : vector<1024xf32>
    %reduce_sum3A_553 = vector.multi_reduction <add>, %mul3A_551, %reduce_sum3A_552 [1] : vector<1024x32xf32> to vector<1024xf32>
    %broadcast_in_dim3A_554 = vector.shape_cast %reduce_sum3A_553 : vector<1024xf32> to vector<1024x1xf32>
    %dot_general3A_555 = arith.constant dense<0.000000e+00> : vector<1024x1024xf32>
    %dot_general3A_556 = tpu.matmul %sub3A_530, %get3A_545, %dot_general3A_555 {dimension_numbers = #tpu.dot_dimension_numbers<[1], [0], [0], [1], [0, 0, 1, 1], [], []>, transpose_lhs_hint = false} : vector<1024x32xf32>, vector<32x1024xf32>, vector<1024x1024xf32> -> vector<1024x1024xf32>
    %mul3A_557 = arith.constant 2.000000e+00 : f32
    %mul3A_558 = vector.broadcast %mul3A_557 : f32 to vector<1024x1024xf32>
    %mul3A_559 = arith.mulf %mul3A_558, %dot_general3A_556 : vector<1024x1024xf32>
    %sub3A_560 = vector.broadcast %broadcast_in_dim3A_554 : vector<1024x1xf32> to vector<1024x1024xf32>
    %sub3A_561 = arith.subf %sub3A_560, %mul3A_559 : vector<1024x1024xf32>
    %add3A_562 = vector.broadcast %get3A_550 : vector<1x1024xf32> to vector<1024x1024xf32>
    %add3A_563 = arith.addf %sub3A_561, %add3A_562 : vector<1024x1024xf32>
    %reduce_min3A_564 = arith.constant dense<0x7F800000> : vector<1024xf32>
    %reduce_min3A_565 = vector.multi_reduction <minimumf>, %add3A_563, %reduce_min3A_564 [1] : vector<1024x1024xf32> to vector<1024xf32>
    %broadcast_in_dim3A_566 = vector.shape_cast %reduce_min3A_565 : vector<1024xf32> to vector<1024x1xf32>
    %eq3A_567 = vector.broadcast %broadcast_in_dim3A_566 : vector<1024x1xf32> to vector<1024x1024xf32>
    %eq3A_568 = arith.cmpf oeq, %add3A_563, %eq3A_567 : vector<1024x1024xf32>
    %convert_element_type3A_569 = arith.extui %eq3A_568 : vector<1024x1024xi1> to vector<1024x1024xi32>
    %convert_element_type3A_570 = arith.sitofp %convert_element_type3A_569 : vector<1024x1024xi32> to vector<1024x1024xf32>
    %convert_element_type3A_571 = arith.truncf %convert_element_type3A_570 : vector<1024x1024xf32> to vector<1024x1024xbf16>
    %get3A_572 = arith.constant 7 : index
    %get3A_573 = arith.constant 0 : index
    %get3A_574 = arith.constant 0 : index
    %get3A_575 = vector.load %arg9[%get3A_572, %get3A_573, %get3A_574] : memref<8x1024x99xbf16, #tpu.memory_space<vmem>>, vector<1x1024x99xbf16>
    %get3A_576 = vector.shape_cast %get3A_575 : vector<1x1024x99xbf16> to vector<1024x99xbf16>
    %dot_general3A_577 = arith.constant dense<0.000000e+00> : vector<1024x99xf32>
    %dot_general3A_578 = tpu.matmul %convert_element_type3A_571, %get3A_576, %dot_general3A_577 {dimension_numbers = #tpu.dot_dimension_numbers<[1], [0], [0], [1], [0, 0, 1, 1], [], []>, transpose_lhs_hint = false} : vector<1024x1024xbf16>, vector<1024x99xbf16>, vector<1024x99xf32> -> vector<1024x99xf32>
    %slice3A_579 = vector.extract_strided_slice %dot_general3A_578 {offsets = [0, 0], sizes = [1024, 32], strides = [1, 1]} : vector<1024x99xf32> to vector<1024x32xf32>
    %slice3A_580 = vector.extract_strided_slice %dot_general3A_578 {offsets = [0, 32], sizes = [1024, 32], strides = [1, 1]} : vector<1024x99xf32> to vector<1024x32xf32>
    %add3A_581 = arith.addf %slice3A_579, %slice3A_580 : vector<1024x32xf32>
    %slice3A_582 = vector.extract_strided_slice %dot_general3A_578 {offsets = [0, 64], sizes = [1024, 32], strides = [1, 1]} : vector<1024x99xf32> to vector<1024x32xf32>
    %add3A_583 = arith.addf %add3A_581, %slice3A_582 : vector<1024x32xf32>
    %slice3A_584 = vector.extract_strided_slice %dot_general3A_578 {offsets = [0, 96], sizes = [1024, 1], strides = [1, 1]} : vector<1024x99xf32> to vector<1024x1xf32>
    %slice3A_585 = vector.extract_strided_slice %dot_general3A_578 {offsets = [0, 97], sizes = [1024, 1], strides = [1, 1]} : vector<1024x99xf32> to vector<1024x1xf32>
    %add3A_586 = arith.addf %slice3A_584, %slice3A_585 : vector<1024x1xf32>
    %slice3A_587 = vector.extract_strided_slice %dot_general3A_578 {offsets = [0, 98], sizes = [1024, 1], strides = [1, 1]} : vector<1024x99xf32> to vector<1024x1xf32>
    %swap3A_588 = arith.constant 0 : index
    %swap3A_589 = arith.constant 0 : index
    %swap3A_590 = vector.load %arg10[%swap3A_588, %swap3A_589] : memref<1024x32xf32, #tpu.memory_space<vmem>>, vector<1024x32xf32>
    tpu.vector_store %arg10[%swap3A_588, %swap3A_589], %add3A_583 {strides = array<i32>} : memref<1024x32xf32, #tpu.memory_space<vmem>>, vector<1024x32xf32>,
    %convert_element_type3A_591 = arith.fptosi %add3A_586 : vector<1024x1xf32> to vector<1024x1xi32>
    %swap3A_592 = arith.constant 0 : index
    %swap3A_593 = arith.constant 0 : index
    %swap3A_594 = vector.load %arg11[%swap3A_592, %swap3A_593] : memref<1024x1xi32, #tpu.memory_space<vmem>>, vector<1024x1xi32>
    tpu.vector_store %arg11[%swap3A_592, %swap3A_593], %convert_element_type3A_591 {strides = array<i32>} : memref<1024x1xi32, #tpu.memory_space<vmem>>, vector<1024x1xi32>,
    %reduce_max3A_595 = vector.shape_cast %slice3A_587 : vector<1024x1xf32> to vector<1x1024x1xf32>
    %reduce_max3A_596 = arith.constant dense<0xFF800000> : vector<1xf32>
    %reduce_max3A_597 = vector.multi_reduction <maximumf>, %reduce_max3A_595, %reduce_max3A_596 [1, 2] : vector<1x1024x1xf32> to vector<1xf32>
    %reduce_max3A_598 = vector.shape_cast %reduce_max3A_597 : vector<1xf32> to vector<1x1x1xf32>
    %reduce_max3A_599 = vector.extract %reduce_max3A_598[0, 0, 0] : f32 from vector<1x1x1xf32>
    %gt3A_600 = arith.constant 1.000000e+00 : f32
    %gt3A_601 = arith.cmpf ogt, %reduce_max3A_599, %gt3A_600 : f32
    %convert_element_type3A_602 = arith.extui %gt3A_601 : i1 to i32
    %cond3A_603 = arith.constant 0 : i32
    %cond3A_604 = arith.cmpi ne, %convert_element_type3A_602, %cond3A_603 : i32
    scf.if %cond3A_604 {
      %iota3A = tpu.iota {dimensions = array<i32: 1>} : vector<1024x1024xi32>
      %eq3A_631 = vector.broadcast %broadcast_in_dim3A_566 : vector<1024x1xf32> to vector<1024x1024xf32>
      %eq3A_632 = arith.cmpf oeq, %add3A_563, %eq3A_631 : vector<1024x1024xf32>
      %jit3A = arith.constant 1024 : i32
      %broadcast_in_dim3A_633 = vector.broadcast %jit3A : i32 to vector<1024x1024xi32>
      %select_n3A = arith.select %eq3A_632, %iota3A, %broadcast_in_dim3A_633 : vector<1024x1024xi1>, vector<1024x1024xi32>
      %reduce_min3A_634 = arith.constant dense<2147483647> : vector<1024xi32>
      %reduce_min3A_635 = vector.multi_reduction <minsi>, %select_n3A, %reduce_min3A_634 [1] : vector<1024x1024xi32> to vector<1024xi32>
      %broadcast_in_dim3A_636 = vector.shape_cast %reduce_min3A_635 : vector<1024xi32> to vector<1024x1xi32>
      %eq3A_637 = vector.broadcast %broadcast_in_dim3A_636 : vector<1024x1xi32> to vector<1024x1024xi32>
      %eq3A_638 = arith.cmpi eq, %iota3A, %eq3A_637 : vector<1024x1024xi32>
      %convert_element_type3A_639 = arith.extui %eq3A_638 : vector<1024x1024xi1> to vector<1024x1024xi32>
      %convert_element_type3A_640 = arith.sitofp %convert_element_type3A_639 : vector<1024x1024xi32> to vector<1024x1024xf32>
      %convert_element_type3A_641 = arith.truncf %convert_element_type3A_640 : vector<1024x1024xf32> to vector<1024x1024xbf16>
      %get3A_642 = arith.constant 7 : index
      %get3A_643 = arith.constant 0 : index
      %get3A_644 = arith.constant 0 : index
      %get3A_645 = vector.load %arg9[%get3A_642, %get3A_643, %get3A_644] : memref<8x1024x99xbf16, #tpu.memory_space<vmem>>, vector<1x1024x99xbf16>
      %get3A_646 = vector.shape_cast %get3A_645 : vector<1x1024x99xbf16> to vector<1024x99xbf16>
      %dot_general3A_647 = arith.constant dense<0.000000e+00> : vector<1024x99xf32>
      %dot_general3A_648 = tpu.matmul %convert_element_type3A_641, %get3A_646, %dot_general3A_647 {dimension_numbers = #tpu.dot_dimension_numbers<[1], [0], [0], [1], [0, 0, 1, 1], [], []>, transpose_lhs_hint = false} : vector<1024x1024xbf16>, vector<1024x99xbf16>, vector<1024x99xf32> -> vector<1024x99xf32>
      %slice3A_649 = vector.extract_strided_slice %dot_general3A_648 {offsets = [0, 0], sizes = [1024, 32], strides = [1, 1]} : vector<1024x99xf32> to vector<1024x32xf32>
      %slice3A_650 = vector.extract_strided_slice %dot_general3A_648 {offsets = [0, 32], sizes = [1024, 32], strides = [1, 1]} : vector<1024x99xf32> to vector<1024x32xf32>
      %add3A_651 = arith.addf %slice3A_649, %slice3A_650 : vector<1024x32xf32>
      %slice3A_652 = vector.extract_strided_slice %dot_general3A_648 {offsets = [0, 64], sizes = [1024, 32], strides = [1, 1]} : vector<1024x99xf32> to vector<1024x32xf32>
      %add3A_653 = arith.addf %add3A_651, %slice3A_652 : vector<1024x32xf32>
      %swap3A_654 = arith.constant 0 : index
      %swap3A_655 = arith.constant 0 : index
      %swap3A_656 = vector.load %arg10[%swap3A_654, %swap3A_655] : memref<1024x32xf32, #tpu.memory_space<vmem>>, vector<1024x32xf32>
      tpu.vector_store %arg10[%swap3A_654, %swap3A_655], %add3A_653 {strides = array<i32>} : memref<1024x32xf32, #tpu.memory_space<vmem>>, vector<1024x32xf32>,
      %swap3A_657 = arith.constant 0 : index
      %swap3A_658 = arith.constant 0 : index
      %swap3A_659 = vector.load %arg11[%swap3A_657, %swap3A_658] : memref<1024x1xi32, #tpu.memory_space<vmem>>, vector<1024x1xi32>
      tpu.vector_store %arg11[%swap3A_657, %swap3A_658], %broadcast_in_dim3A_636 {strides = array<i32>} : memref<1024x1xi32, #tpu.memory_space<vmem>>, vector<1024x1xi32>,
    } else {
    }
    %get3A_605 = arith.constant 0 : index
    %get3A_606 = arith.constant 0 : index
    %get3A_607 = vector.load %arg10[%get3A_605, %get3A_606] : memref<1024x32xf32, #tpu.memory_space<vmem>>, vector<1024x32xf32>
    %add3A_608 = arith.addf %add3A_531, %get3A_607 : vector<1024x32xf32>
    %swap3A_609 = arith.constant 7 : index
    %swap3A_610 = arith.constant 0 : index
    %swap3A_611 = arith.constant 0 : index
    %swap3A_612 = vector.load %arg7[%swap3A_609, %swap3A_610, %swap3A_611] : memref<8x1024x32xf32, #tpu.memory_space<vmem>>, vector<1x1024x32xf32>
    %swap3A_613 = vector.shape_cast %swap3A_612 : vector<1x1024x32xf32> to vector<1024x32xf32>
    %swap3A_614 = vector.shape_cast %get3A_607 : vector<1024x32xf32> to vector<1x1024x32xf32>
    tpu.vector_store %arg7[%swap3A_609, %swap3A_610, %swap3A_611], %swap3A_614 {strides = array<i32>} : memref<8x1024x32xf32, #tpu.memory_space<vmem>>, vector<1x1024x32xf32>,
    %get3A_615 = arith.constant 0 : index
    %get3A_616 = arith.constant 0 : index
    %get3A_617 = vector.load %arg11[%get3A_615, %get3A_616] : memref<1024x1xi32, #tpu.memory_space<vmem>>, vector<1024x1xi32>
    %concatenate3A = tpu.concatenate %get3A_72, %get3A_150, %get3A_228, %get3A_306, %get3A_384, %get3A_462, %get3A_540, %get3A_617 in 1 : vector<1024x1xi32>, vector<1024x1xi32>, vector<1024x1xi32>, vector<1024x1xi32>, vector<1024x1xi32>, vector<1024x1xi32>, vector<1024x1xi32>, vector<1024x1xi32> -> vector<1024x8xi32>
    %swap3A_618 = arith.constant 0 : index
    %swap3A_619 = arith.constant 0 : index
    %swap3A_620 = vector.load %arg8[%swap3A_618, %swap3A_619] : memref<1024x8xi32, #tpu.memory_space<vmem>>, vector<1024x8xi32>
    tpu.vector_store %arg8[%swap3A_618, %swap3A_619], %concatenate3A {strides = array<i32>} : memref<1024x8xi32, #tpu.memory_space<vmem>>, vector<1024x8xi32>,
    %get3A_621 = arith.constant 0 : index
    %get3A_622 = arith.constant 0 : index
    %get3A_623 = vector.load %arg2[%get3A_621, %get3A_622] : memref<32x756xf32, #tpu.memory_space<vmem>>, vector<32x756xf32>
    %dot_general3A_624 = arith.constant dense<0.000000e+00> : vector<1024x756xf32>
    %dot_general3A_625 = tpu.matmul %add3A_608, %get3A_623, %dot_general3A_624 {dimension_numbers = #tpu.dot_dimension_numbers<[1], [0], [0], [1], [0, 0, 1, 1], [], []>, transpose_lhs_hint = false} : vector<1024x32xf32>, vector<32x756xf32>, vector<1024x756xf32> -> vector<1024x756xf32>
    %max3A = arith.constant 0.000000e+00 : f32
    %max3A_626 = vector.broadcast %max3A : f32 to vector<1024x756xf32>
    %max3A_627 = arith.maximumf %dot_general3A_625, %max3A_626 : vector<1024x756xf32>
    %swap3A_628 = arith.constant 0 : index
    %swap3A_629 = arith.constant 0 : index
    %swap3A_630 = vector.load %arg6[%swap3A_628, %swap3A_629] : memref<1024x756xf32, #tpu.memory_space<vmem>>, vector<1024x756xf32>
    tpu.vector_store %arg6[%swap3A_628, %swap3A_629], %max3A_627 {strides = array<i32>} : memref<1024x756xf32, #tpu.memory_space<vmem>>, vector<1024x756xf32>,
    return
  }
  func.func @transform_0(%arg0: i32) -> (i32, i32) {
    %c0_i32 = arith.constant 0 : i32
    %c0_i32_0 = arith.constant 0 : i32
    return %arg0, %c0_i32 : i32, i32
  }
  func.func @transform_1(%arg0: i32) -> (i32, i32) {
    %c0_i32 = arith.constant 0 : i32
    %c0_i32_0 = arith.constant 0 : i32
    %c0_i32_1 = arith.constant 0 : i32
    return %c0_i32, %c0_i32_0 : i32, i32
  }
  func.func @transform_2(%arg0: i32) -> (i32, i32, i32) {
    %c0_i32 = arith.constant 0 : i32
    %c0_i32_0 = arith.constant 0 : i32
    %c0_i32_1 = arith.constant 0 : i32
    %c0_i32_2 = arith.constant 0 : i32
    return %c0_i32, %c0_i32_0, %c0_i32_1 : i32, i32, i32
  }
  func.func @transform_3(%arg0: i32) -> (i32, i32, i32) {
    %c0_i32 = arith.constant 0 : i32
    %c0_i32_0 = arith.constant 0 : i32
    %c0_i32_1 = arith.constant 0 : i32
    %c0_i32_2 = arith.constant 0 : i32
    return %c0_i32, %c0_i32_0, %c0_i32_1 : i32, i32, i32
  }
  func.func @transform_4(%arg0: i32) -> (i32, i32, i32) {
    %c0_i32 = arith.constant 0 : i32
    %c0_i32_0 = arith.constant 0 : i32
    %c0_i32_1 = arith.constant 0 : i32
    %c0_i32_2 = arith.constant 0 : i32
    return %c0_i32, %c0_i32_0, %c0_i32_1 : i32, i32, i32
  }
  func.func @transform_5(%arg0: i32) -> (i32, i32) {
    %c0_i32 = arith.constant 0 : i32
    %c0_i32_0 = arith.constant 0 : i32
    return %arg0, %c0_i32 : i32, i32
  }
  func.func @transform_6(%arg0: i32) -> (i32, i32, i32) {
    %c0_i32 = arith.constant 0 : i32
    %c0_i32_0 = arith.constant 0 : i32
    %c0_i32_1 = arith.constant 0 : i32
    return %c0_i32, %arg0, %c0_i32_0 : i32, i32, i32
  }
  func.func @transform_7(%arg0: i32) -> (i32, i32) {
    %c0_i32 = arith.constant 0 : i32
    %c0_i32_0 = arith.constant 0 : i32
    return %arg0, %c0_i32 : i32, i32
  }
}

</mosaic_0001>

<sc_bundles>
// kernel: sparse-core-data-format-call.cloned.1.call-start
scs
called_computation_lowered:
.L_overlay_start_0:
0x0: {  	s2 =	sld [smem:$0x3FD9]  }
0x1: {  	s3 =	sld [smem:$0x3FFE];
	_ =	sdelay $0x1  }
0x2: {  	s1 =	srdreg.scid  }
0x3: {  	s0 =	sand.u32 $0x1, s1  }
0x4: {  	s15 =	sshll.u32 s0, $0xA;
	s2 =	sadd.s32 s3, s2  }
0x5: {  	s2 =	sadd.s32 s2, s15  }
0x6: {  	[smem:$0x3FC4] =	sst s2  }
0x7: {  	_ = 	snop  }
0x8: {  	s2 =	sld [smem:$0x3FD0];
	_ =	sdelay $0x2  }
0x9: {  	s16 =	simm.s32 $0xA;
	s4 =	simm.s32 $0x10  }
0xa: {  	[smem:s4], [sflag:s16] =	dma.local [hbm:s2], $0x1  }
0xb: {  	_ =	swait.eq [sflag:s16], $0x1  }
0xc: {  	[sflag:s16] =	ssyncset.done $0x0  }
0xd: {  	[sflag:s16] =	ssyncadd.s32 $0xFFFFFFFF  }
0xe: {  	s17 =	sld [smem:$0x10];
	(tm) =	ssettm $0x1  }
0xf: {  	s18 =	sld [smem:$0x3FFB];
	_ =	sdelay $0x3  }
0x10: {  	_ =	strace s18  }
0x11: {  	s3 =	sld [smem:$0x3FFC];
	_ =	sdelay $0x3  }
0x12: {  	_ =	strace s3  }
0x13: {  	s3 =	sld [smem:$0x3FFD];
	_ =	sdelay $0x3  }
0x14: {  	_ =	strace s3  }
0x15: {  	_ =	strace $0x8FFFFFFF  }
0x16: {  	s19 =	sld [smem:$0x3FDB];
	_ =	sdelay $0x1  }
0x17: {  	s20 =	simm.s32 $_scs_section_size  }
0x18: {  	s5 =	simm.s32 $_size__tile_overlayer_lowered;
	s6 =	simm.s32 $_tile_overlayer_lowered  }
0x19: {  	s23 =	simm.s32 $0x1BFF;
	s22 =	sshll.u32 s6, $0x1;
	s3 =	sadd.s32 s20, s19  }
0x1a: {  	s7 =	simm.s32 $0x0;
	s21 =	sshll.u32 s5, $0x1;
	s5 =	sadd.s32 s22, s3  }
0x1b: {  	[timem:s7], [sflag:s23] =	dma.local [hbm:s5], s21  }
0x1c: {  	_ =	swait.ge [sflag:s23], s21  }
0x1d: {  	s4 =	ssub.s32 $0x0, s21;
	[sflag:s23] =	ssyncset.done $0x0  }
0x1e: {  	[sflag:s23] =	ssyncadd.s32 s4;
	_ =	sdelay $0x1  }
0x1f: {  	s24 =	simm.s32 $0x1B8B  }
0x20: {  	_ =	swait.ge [sflag:s24], $0x1  }
0x21: {  	[sflag:s24] =	ssyncset.done $0x0  }
0x22: {  	s26 =	simm.s32 $0x1B8E;
	s25 =	sld [smem:$0x3FFE];
	[sflag:s24] =	ssyncadd.s32 $0xFFFFFFFF  }
0x23: {  	s27 =	simm.s32 $execute0_lowered;
	[smem:$0x3FD2] =	sst s26  }
0x24: {  	s5 =	sshll.u32 s27, $0x1;
	_ =	strace $0x80000046;
	[dreg:$0x1] =	wrdreg $0xFFFFFFFF  }
0x25: {  	s28 =	simm.s32 $_size_execute0_lowered;
	s3 =	sadd.s32 s3, s5;
	[dreg:$0x0] =	wrdreg $0x0  }
0x26: {  	s5 =	sshll.u32 s28, $0x1;
	[dreg:$0x2] =	wrdreg s3  }
0x27: {  	[dreg:$0x3] =	wrdreg s5  }
0x28: {  	[dreg:$0x4] =	wrdreg $0xC0  }
0x29: {  	_ =	task [dreg:s7], $0x5FFFF  }
0x2a: {  	[dreg:$0x1] =	wrdreg $0xFFFFFFFF  }
0x2b: {  	[dreg:$0x0] =	wrdreg $0x60  }
0x2c: {  	[dreg:$0x2] =	wrdreg s25  }
0x2d: {  	[dreg:$0x3] =	wrdreg s17  }
0x2e: {  	[dreg:$0x4] =	wrdreg $0x9  }
0x2f: {  	_ =	task.clear_ibuf [dreg:s7], $0x5FFFF;
	_ =	strace $0x90000046  }
0x30: {  	s29 =	simm.s32 $0x9;
	_ =	strace $0x80000048  }
0x31: {  	_ =	swait.ge [sflag:s29], $0x1  }
0x32: {  	[sflag:s29] =	ssyncadd.s32 $0xFFFFFFFF  }
0x33: {  	_ =	strace $0x90000048  }
0x34: {  	_ =	sfence  }
0x35: {  	s30 =	sld [smem:$0x0];
	_ =	sdelay $0x2  }
0x36: {  	s31 =	sshll.u32 s1, $0xD;
	s1 =	sshrl.u32 s1, $0x2  }
0x37: {  	s3 =	sand.u32 $0x4000, s31;
	s1 =	sadd.s32 s1, s30  }
0x38: {  	s0 =	sor.u32 s3, s0;
	s1 =	sshll.u32 s1, $0x11  }
0x39: {  	s0 =	sor.u32 s1, s0  }
0x3a: {  	s0 =	sadd.s32 $0x8F2B, s0  }
0x3b: {  	[sflag:s0] =	ssyncadd.remote.s32 $0x1  }
0x3c: {  	_ =	sfence.sel $0xFFFF  }
0x3d: {  	[dreg:$0x0] =	wrdreg $0xFFFFFFFF;
	(pc) =	sbr.abs _section_cstart, $3  }
0x3e: {  	[dreg:$0x1] =	wrdreg $0xFFFFFFFF  }
0x3f: {  	_ =	task.clear_ibuf [dreg:s7], $0x2FFFF;
	_ =	strace $0x9FFFFFFF  }
0x40: {  	(tm) =	ssettm $0x7FFFFFFF  }
0x41: {  	_ =	shalt  }
tec
execute0_lowered:
.L_overlay_start_1:
0x0: {  	(tag) =	ssettag $0x1  }
0x1: {  	s0 =	stileid.u32;
	s5 =	rddreg [dreg:$0x0]  }
0x2: {  	s1 =	srdreg.scid;
	s3 =	rddreg [dreg:$0x1];
	s6 =	simm.s32 $0x1  }
0x3: {  	s8 =	simm.s32 $0x2;
	s2 =	sshll.u32 s0, $0x4;
	s1 =	sshll.u32 s1, $0x8  }
0x4: {  	s18 =	simm.s32 $0x0;
	s9 =	simm.s32 $0x4000;
	s1 =	sor.u32 s2, s1  }
0x5: {  	s17 =	simm.s32 $0x0;
	s19 =	simm.s32 $0x0;
	s2 =	sand.u32 $0x180, s1  }
0x6: {  	s10 =	simm.s32 $0x0;
	s11 =	simm.s32 $0x0;
	s4 =	ssub.s32 $0x800, s2  }
0x7: {  	s12 =	simm.s32 $0x0;
	s13 =	simm.s32 $0x0;
	s31 =	sand.u32 $0x180, s4  }
0x8: {  	s16 =	simm.s32 $0x0;
	s7 =	sand.u32 $0x7, s0;
	p0 =	sne.s32 s31, $0x0  }
.Ltmp0:
0x9: {  	s4 =	sshrl.u32 s4, $0x9;
	s6 =	simm.s32 @!p0 $0x0;
	(pc) =	sbr.rel .LBB1_1-.Ltmp0, $4  }
0xa: {  	s1 =	rddreg [dreg:$0x2];
	_ =	strace $0x80000047;
	s6 =	sadd.s32 s6, s4  }
0xb: {  	s4 =	sadd.s32 $0x200A00, s5;
	s5 =	simm.s32 $0x1;
	s6 =	smul.u32 $0x6, s6  }
0xc: {  	s15 =	smov.u32 s7;
	s14 =	smov.u32 s2;
	[sflag:s5] =	ssyncpa.u1 $0x0  }
0xd: {  	p0 =	por $0x0, $0x0;
	[sflag:s8] =	ssyncpa.u1 $0x0;
	s8 =	sor.u32 $0x1, s6  }
.LBB1_4:
0xe: {  	s24 =	sshra.s32 s24, $0x2;
	p1 =	sgt.s32 s10, $0x274;
	s25 =	smov.u32 s10  }
0xf: {  	p2 =	sgt.s32 s12, $0x7;
	s26 =	smov.u32 s12;
	s29 =	sshra.s32 s12, $0x1F  }
0x10: {  	s27 =	smov.u32 s11;
	s28 =	sshra.s32 s11, $0x1F;
	s23 =	sadd.s32 s24, s23  }
0x11: {  	s25 =	simm.s32 @!p1 $0x274;
	s26 =	simm.s32 @!p2 $0x7;
	p1 =	sgt.s32 s11, $0x780  }
0x12: {  	v5 =	vld [tilespmem:s21+$0xFFFFFFD0];
	s24 =	sand.u32 s29, s12;
	s28 =	sand.u32 s28, s11;
	s27 =	simm.s32 @!p1 $0x780  }
0x13: {  	[tilespmem:s22+$0x2040 ss:$0x81] =	vst.msk $0xffff, v4;
	v58 =	vld [tilespmem:s21+$0xFFFFFFE0];
	s29 =	sshra.s32 s10, $0x1F;
	s24 =	ssub.s32 s26, s24;
	s26 =	ssub.s32 s27, s28  }
0x14: {  	[tilespmem:s22+$0x2850 ss:$0x81] =	vst.msk $0xffff, v3;
	v59 =	vld [tilespmem:s21+$0xFFFFFFF0];
	s27 =	sand.u32 s29, s10;
	s30 =	sadd.s32 $0xFFFFFFF9, s24;
	s24 =	ssub.s32 $0x8, s24  }
0x15: {  	[tilespmem:s22+$0x3060 ss:$0x81] =	vst.msk $0xffff, v2;
	v60 =	vld [tilespmem:s21+$0x0];
	s28 =	sand.u32 $0x78, s11;
	s29 =	sshll.u32 s12, $0x7;
	s31 =	sadd.s32 $0xFFFFF880, s26  }
0x16: {  	[tilespmem:s22+$0x0 ss:$0x81] =	vst.msk $0xffff, v1;
	v61 =	vld [tilespmem:s21+$0x10];
	s25 =	ssub.s32 s25, s27;
	p1 =	sgt.s32 s30, $0x0;
	s26 =	ssub.s32 $0x800, s26  }
0x17: {  	v62 =	vld [tilespmem:s21+$0x20];
	[tilespmem:s23+$0x3870 ss:$0x81] =	vst.msk $0xffff, v0;
	s30 =	sshll.u32 s11, $0x3;
	p2 =	sgt.s32 s31, $0x7F;
	s27 =	sadd.s32 $0xFFFFFD8C, s25  }
0x18: {  	v63 =	vld [tilespmem:s21+$0xFFFFFFC0];
	s24 =	simm.s32 @p1 $0x0;
	[tilespmem:s23+$0x810 ss:$0x81] =	vst.msk $0xffff, v5;
	s25 =	ssub.s32 $0x2F4, s25;
	s21 =	sand.u32 $0x400, s30  }
0x19: {  	[tilespmem:s23+$0x1020 ss:$0x81] =	vst.msk $0xffff, v58;
	s26 =	simm.s32 @p2 $0x0;
	p1 =	sgt.s32 s27, $0x7F;
	s27 =	sand.u32 $0x700, s11  }
0x1a: {  	[tilespmem:s23+$0x1830 ss:$0x81] =	vst.msk $0xffff, v59;
	s24 =	smul.u32 s24, s26;
	s26 =	sand.u32 $0x380, s29;
	s25 =	simm.s32 @p1 $0x0  }
0x1b: {  	[tilespmem:s23+$0x2040 ss:$0x81] =	vst.msk $0xffff, v60;
	s29 =	sand.u32 $0x7, s11;
	s22 =	sor.u32 s26, s28;
	s28 =	sshll.u32 s10, $0xB  }
0x1c: {  	[tilespmem:s23+$0x2850 ss:$0x81] =	vst.msk $0xffff, v61;
	s21 =	sor.u32 s21, s22;
	s31 =	smul.u32 s25, s24;
	s24 =	sadd.s32 s3, s27  }
0x1d: {  	[tilespmem:s23+$0x3060 ss:$0x81] =	vst.msk $0xffff, v62;
	s30 =	sshll.u32 s29, $0x12;
	s24 =	sadd.s32 s28, s24;
	s21 =	sshrl.u32 s21, $0x3  }
0x1e: {  	[tilespmem:s23+$0x0 ss:$0x81] =	vst.msk $0xffff, v63;
	s22 =	sand.u32 $0x3FFFFFFF, s31;
	s21 =	sadd.s32 s21, s24;
	s31 =	sor.u32 $0x80, s30  }
0x1f: {  	[hbm4b:s21+s31] =	stream.strided.scatter [tilespmem:s20], [sflag:$0x2], s22, s9, s31, $0x20;
	[tilespmem:$0x10100] =	vst v63  }
.LBB1_5:
0x20: {  	p1 =	slt.u32 s16, $0x2;
	s21 =	smov.u32 s19  }
0x21: {  	p2 =	sgt.s32 @!p1 s18, $0x274;
	s20 =	sshra.s32 @!p1 s18, $0x1F;
	p3 =	sgt.s32 @!p1 s19, $0x7  }
0x22: {  	s22 =	sshra.s32 @!p1 s19, $0x1F;
	p2 =	por !p2, p1;
	s20 =	sand.u32 @!p1 s20, s18  }
0x23: {  	p3 =	por !p3, p1;
	s19 =	sand.u32 @!p1 s22, s19;
	s22 =	sshra.s32 @!p1 s17, $0x1F  }
0x24: {  	s21 =	simm.s32 @p3 $0x7;
	p3 =	sgt.s32 @!p1 s17, $0x780;
	s18 =	simm.s32 @p2 $0x274  }
0x25: {  	s19 =	ssub.s32 @!p1 s21, s19;
	p3 =	por !p3, p1;
	s21 =	smov.u32 s17  }
0x26: {  	s17 =	sand.u32 @!p1 s22, s17;
	s18 =	ssub.s32 @!p1 s18, s20;
	s21 =	simm.s32 @p3 $0x780  }
0x27: {  	s20 =	sadd.s32 @!p1 $0xFFFFFFF9, s19;
	s19 =	ssub.s32 @!p1 $0x8, s19;
	s17 =	ssub.s32 @!p1 s21, s17  }
0x28: {  	s21 =	sadd.s32 @!p1 $0xFFFFFD8C, s18;
	p2 =	sgt.s32 @!p1 s20, $0x0;
	s20 =	sadd.s32 @!p1 $0xFFFFF880, s17  }
0x29: {  	s18 =	ssub.s32 @!p1 $0x2F4, s18;
	p2 =	por !p2, p1;
	p3 =	sgt.s32 @!p1 s20, $0x7F  }
0x2a: {  	s17 =	ssub.s32 @!p1 $0x800, s17;
	s19 =	simm.s32 @!p2 $0x0;
	p2 =	por !p3, p1  }
0x2b: {  	s20 =	sadd.s32 $0x80, s13;
	p3 =	sgt.s32 @!p1 s21, $0x7F;
	s17 =	simm.s32 @!p2 $0x0  }
0x2c: {  	s21 =	smov.u32 s14;
	p2 =	por !p3, p1;
	s17 =	smul.u32 @!p1 s19, s17  }
0x2d: {  	s18 =	simm.s32 @!p2 $0x0;
	p2 =	sgt.s32 s20, $0x2F3;
	s19 =	sadd.s32 $0x200, s14  }
0x2e: {  	s22 =	smov.u32 s15;
	s21 =	smov.u32 @p2 s19  }
0x2f: {  	s17 =	smul.u32 @!p1 s18, s17;
	p3 =	sgt.s32 s21, $0x7FF;
	s18 =	sadd.s32 $0x8, s15  }
0x30: {  	p0 =	por !p0, !p0;
	s23 =	simm.s32 @!p1 $0x2;
	s22 =	smov.u32 @p3 s18  }
0x31: {  	s20 =	simm.s32 @p2 $0x0;
	s19 =	smov.u32 s12;
	p2 =	sgt.s32 s22, $0x7  }
0x32: {  	s12 =	smov.u32 s15;
	s22 =	smov.u32 @p2 s7;
	p2 =	sne.s32 s16, s8  }
.Ltmp1:
0x33: {  	s21 =	smov.u32 @p3 s2;
	s18 =	smov.u32 s10;
	(pc) =	sbr.rel @!p2 .LBB1_6-.Ltmp1, $4  }
0x34: {  	s10 =	smov.u32 s13;
	s13 =	smov.u32 s20;
	s17 =	sand.u32 @!p1 $0x3FFFFFFF, s17  }
0x35: {  	_ =	swait.ge @!p1 [sflag:s23], s17;
	s24 =	ssub.s32 @!p1 $0x0, s17;
	s17 =	smov.u32 s11  }
0x36: {  	s16 =	sadd.s32 $0x1, s16;
	s11 =	smov.u32 s14;
	[sflag:s23] =	ssyncset.done @!p1 $0x0  }
0x37: {  	s14 =	smov.u32 s21;
	s15 =	smov.u32 s22;
	[sflag:s23] =	ssyncadd.s32 @!p1 s24  }
.LBB1_1:
0x38: {  	p1 =	sge.u32 s16, s6  }
0x39: {  	s20 =	sshrl.u32 @!p1 s14, $0x3  }
0x3a: {  	s21 =	sshll.u32 @!p1 s13, $0x3;
	s20 =	smul.u32 @!p1 $0x1800, s20  }
0x3b: {  	s22 =	sshll.u32 @!p1 s14, $0x7;
	s21 =	sand.u32 @!p1 $0xFFFFFC00, s21  }
0x3c: {  	s20 =	sadd.s32 @!p1 s20, s21;
	s21 =	sand.u32 @!p1 $0x380, s22  }
0x3d: {  	s22 =	sand.u32 @!p1 $0x7F, s13;
	s20 =	sor.u32 @!p1 s21, s20  }
0x3e: {  	s21 =	sor.u32 @!p1 s22, s20  }
0x3f: {  	s22 =	smulhi.u32 @!p1 $0xAAAAAAAB, s21  }
0x40: {  	s20 =	smulhi.u32 @!p1 $0xAAAAAAAB, s20  }
0x41: {  	s22 =	sshrl.u32 @!p1 s22, $0x9  }
0x42: {  	s31 =	sadd.s32 $0xFFFFFFFF, s16;
	s20 =	sshrl.u32 @!p1 s20, $0x9;
	s22 =	smul.u32 @!p1 $0x300, s22  }
0x43: {  	s23 =	sxor.u32 @!p1 $0xFFFFFFFF, s16;
	s24 =	smul.u32 @!p1 $0x30000, s15;
	s20 =	sand.u32 @!p1 $0x7FF, s20  }
0x44: {  	s23 =	sshll.u32 @!p1 s23, $0xE;
	s20 =	smul.u32 @!p1 $0x60, s20;
	s21 =	ssub.s32 @!p1 s21, s22  }
0x45: {  	s22 =	sand.u32 @!p1 $0x4000, s23;
	s23 =	sadd.s32 @!p1 s4, s24;
	s24 =	sand.u32 @!p1 $0x7, s21  }
0x46: {  	s21 =	sshrl.u32 @!p1 s21, $0x3;
	s20 =	sadd.s32 @!p1 s20, s23;
	s23 =	sshll.u32 @!p1 s24, $0x12  }
0x47: {  	s20 =	sadd.s32 @!p1 s21, s20;
	s21 =	sor.u32 @!p1 $0x400, s23;
	s23 =	simm.s32 @!p1 $0x1800  }
0x48: {  	[tilespmem:s22], [sflag:$0x1] =	stream.strided.gather @!p1 [hbm4b:s20+s21], $0x4000, s23, s21, $0x38;
	[tilespmem:$0x10100] =	vst v63  }
0x49: {  	p1 =	sge.u32 s31, s6  }
.Ltmp2:
0x4a: {  	_ = 	snop;
	(pc) =	sbr.rel @p1 .LBB1_5-.Ltmp2, $1  }
0x4b: {  	_ =	sdelay $0x3  }
0x4c: {  	s20 =	simm.s32 $0x1  }
0x4d: {  	_ =	swait.ge [sflag:s5], $0x4000;
	s20 =	simm.s32 @!p0 $0x0  }
0x4e: {  	[sflag:s5] =	ssyncset.done $0x0;
	s21 =	sshll.u32 s20, $0xE  }
0x4f: {  	[sflag:s5] =	ssyncadd.s32 $0xFFFFC000;
	s21 =	sor.u32 $0x40, s21  }
0x50: {  	s20 =	smul.u32 $0x10200, s20;
	v0 =	vld [tilespmem:s21+$0x30]  }
0x51: {  	v1 =	vld [tilespmem:s21+$0xFFFFFFD0]  }
0x52: {  	s20 =	sshrl.u32 s20, $0x2;
	v5 =	vld [tilespmem:s21+$0xFFFFFFE0]  }
0x53: {  	v6 =	vld [tilespmem:s21+$0xFFFFFFF0];
	s23 =	sor.u32 $0x8000, s20  }
0x54: {  	s31 =	sand.u32 $0x1, s16;
	v4 =	vld [tilespmem:s21+$0x0];
	s22 =	sadd.s32 $0x0, s23  }
0x55: {  	v3 =	vld [tilespmem:s21+$0x10];
	s20 =	smul.u32 $0x10200, s31;
	[tilespmem:s22+$0x3870 ss:$0x81] =	vst.msk $0xffff, v0  }
0x56: {  	v2 =	vld [tilespmem:s21+$0x20];
	[tilespmem:s22+$0x810 ss:$0x81] =	vst.msk $0xffff, v1  }
0x57: {  	s20 =	sshrl.u32 s20, $0x2;
	v1 =	vld [tilespmem:s21+$0xFFFFFFC0];
	[tilespmem:s22+$0x1020 ss:$0x81] =	vst.msk $0xffff, v5;
	s21 =	sadd.s32 $0x80, s21  }
0x58: {  	s24 =	simm.s32 $0x4;
	s25 =	simm.s32 $0x8;
	s20 =	sor.u32 $0x8000, s20;
	[tilespmem:s22+$0x1830 ss:$0x81] =	vst.msk $0xffff, v6;
	v0 =	vld [tilespmem:s21+$0x30]  }
.LBB1_3:
0x59: {  	p1 =	sne.s32 s25, $0x1FC;
	v5 =	vld [tilespmem:s21+$0xFFFFFFD0];
	[tilespmem:s22+$0x2040 ss:$0x81] =	vst.msk $0xffff, v4  }
0x5a: {  	v6 =	vld [tilespmem:s21+$0xFFFFFFE0];
	[tilespmem:s22+$0x2850 ss:$0x81] =	vst.msk $0xffff, v3  }
0x5b: {  	s26 =	sshra.s32 s24, $0x2;
	s24 =	smov.u32 s25;
	v7 =	vld [tilespmem:s21+$0xFFFFFFF0];
	[tilespmem:s22+$0x3060 ss:$0x81] =	vst.msk $0xffff, v2  }
.Ltmp3:
0x5c: {  	v4 =	vld [tilespmem:s21+$0x0];
	[tilespmem:s22+$0x0 ss:$0x81] =	vst.msk $0xffff, v1;
	s22 =	sadd.s32 s26, s23;
	(pc) =	sbr.rel @p1 .LBB1_3-.Ltmp3, $4  }
0x5d: {  	v3 =	vld [tilespmem:s21+$0x10];
	[tilespmem:s22+$0x3870 ss:$0x81] =	vst.msk $0xffff, v0  }
0x5e: {  	[tilespmem:s22+$0x810 ss:$0x81] =	vst.msk $0xffff, v5;
	v2 =	vld [tilespmem:s21+$0x20]  }
0x5f: {  	v1 =	vld [tilespmem:s21+$0xFFFFFFC0];
	[tilespmem:s22+$0x1020 ss:$0x81] =	vst.msk $0xffff, v6;
	s21 =	sadd.s32 $0x80, s21  }
0x60: {  	s25 =	sadd.s32 $0x4, s25;
	v0 =	vld [tilespmem:s21+$0x30];
	[tilespmem:s22+$0x1830 ss:$0x81] =	vst.msk $0xffff, v7  }
.Ltmp4:
0x61: {  	_ = 	snop;
	(pc) =	sbr.rel .LBB1_4-.Ltmp4, $1  }
0x62: {  	_ =	sdelay $0x3  }
.LBB1_6:
0x63: {  	_ =	sfence.sel $0x180000  }
0x64: {  	s2 =	simm.s32 $0x1;
	[bflag:$0x0] =	sbarrier.arrive $0xFFFF  }
0x65: {  	s31 =	simm.s32 $0x2;
	[sflag:s2] =	ssyncpa.u1 $0x1  }
0x66: {  	[sflag:s31] =	ssyncpa.u1 $0x1  }
0x67: {  	p0 =	sne.s32 s0, $0x0;
	_ =	strace $0x90000047  }
0x68: {  	s0 =	sadd.s32 @!p0 $0x100000, s1;
	[bflag:$0x2] =	sbarrier.arrive $0xFFFF  }
0x69: {  	[sflag:s0] =	ssyncadd.tile.s32 @!p0 $0x1;
	_ =	shalt  }
.Lfunc_end1:
_tile_overlayer_lowered:
.L_overlay_start_2:
0x6a: {  	(tag) =	ssettag $0x2  }
0x6b: {  	s0 =	rddreg [dreg:$0x0];
	s2 =	stileid.u32  }
0x6c: {  	s1 =	rddreg [dreg:$0x1];
	p0 =	sne.s32 s2, $0x0  }
0x6d: {  	s3 =	rddreg [dreg:$0x2];
	[bflag:$0x3] =	sbarrier.arrive $0xFFFF;
	s2 =	simm.s32 @!p0 $0x1C01  }
0x6e: {  	[timem:s3], [sflag:s2] =	dma.local @!p0 [hbm:s0], s1  }
0x6f: {  	s0 =	simm.s32 @!p0 $0x1  }
0x70: {  	_ =	swait.ge @!p0 [sflag:s0], s1  }
0x71: {  	s1 =	ssub.s32 @!p0 $0x0, s1;
	[sflag:s0] =	ssyncset.done @!p0 $0x0  }
0x72: {  	[sflag:s0] =	ssyncadd.s32 @!p0 s1  }
0x73: {  	[bflag:$0x3] =	sbarrier.arrive $0xFFFF  }
0x74: {  	_ =	shalt  }

</sc_bundles>
